<compile_context>
chip_gen: v7x
topology: tpu7x:2x2x1
jax: 0.10.2.dev20260603
libtpu: 0.0.44.dev20260713+nightly
codegen_flags: <defaults>
</compile_context>

<pallas_src>
import functools

import numpy as np
import jax
import jax.numpy as jnp
from jax import lax
from jax.experimental import pallas as pl
from jax.experimental.pallas import tpu as pltpu
from jax.experimental.pallas import tpu_sc as plsc

S = 16
D = 32
B = 16384
BD = B * D
LB = 2048

_ROT0 = (13, 15, 26, 6)
_ROT1 = (17, 29, 16, 24)


def _rng_fma_body(kd_ref, mu_ref, ls_ref, out_ref):
    b0 = pl.program_id(0) * LB
    s_i = lax.broadcasted_iota(jnp.uint32, (S, D, LB), 0)
    d_i = lax.broadcasted_iota(jnp.uint32, (S, D, LB), 1)
    b_i = lax.broadcasted_iota(jnp.uint32, (S, D, LB), 2) + jnp.uint32(b0)
    ctr = (s_i << jnp.uint32(19)) | (b_i << jnp.uint32(5)) | d_i

    ks0 = kd_ref[0]
    ks1 = kd_ref[1]
    ks2 = jnp.uint32(0x1BD11BDA) ^ ks0 ^ ks1
    ks = (ks0, ks1, ks2)

    x0 = jnp.zeros((S, D, LB), jnp.uint32) + ks0
    x1 = ctr + ks1
    rots = (_ROT0, _ROT1)
    for i in range(5):
        for r in rots[i % 2]:
            x0 = x0 + x1
            x1 = (x1 << jnp.uint32(r)) | (x1 >> jnp.uint32(32 - r))
            x1 = x1 ^ x0
        x0 = x0 + ks[(i + 1) % 3]
        x1 = x1 + ks[(i + 2) % 3] + jnp.uint32(i + 1)
    bits = x0 ^ x1

    fb = (bits >> jnp.uint32(9)) | jnp.uint32(0x3F800000)
    f = lax.bitcast_convert_type(fb, jnp.float32) - jnp.float32(1.0)
    lo = jnp.float32(np.nextafter(np.float32(-1.0), np.float32(0.0)))
    u = jnp.maximum(lo, f * (jnp.float32(1.0) - lo) + lo)

    w = -jnp.log((jnp.float32(1.0) - u) * (jnp.float32(1.0) + u))
    t1 = w - jnp.float32(2.5)
    p1 = jnp.float32(2.81022636e-08)
    for c in (3.43273939e-07, -3.5233877e-06, -4.39150654e-06, 0.00021858087,
              -0.00125372503, -0.00417768164, 0.246640727, 1.50140941):
        p1 = jnp.float32(c) + p1 * t1
    t2 = jnp.sqrt(w) - jnp.float32(3.0)
    p2 = jnp.float32(-0.000200214257)
    for c in (0.000100950558, 0.00134934322, -0.00367342844, 0.00573950773,
              -0.0076224613, 0.00943887047, 1.00167406, 2.83297682):
        p2 = jnp.float32(c) + p2 * t2
    p = jnp.where(w < jnp.float32(5.0), p1, p2)
    eps = jnp.float32(np.sqrt(2.0)) * p * u

    sigma = jnp.exp(ls_ref[...])
    out_ref[...] = mu_ref[...][None, :, :] + sigma[None, :, :] * eps


def _sample_tc(kd2, mu_t, ls_t, interpret=False):
    return pl.pallas_call(
        _rng_fma_body,
        grid=(B // LB,),
        in_specs=[
            pl.BlockSpec(memory_space=pltpu.SMEM),
            pl.BlockSpec((D, LB), lambda j: (0, j)),
            pl.BlockSpec((D, LB), lambda j: (0, j)),
        ],
        out_specs=pl.BlockSpec((S, D, LB), lambda j: (0, 0, j)),
        out_shape=jax.ShapeDtypeStruct((S, D, B), jnp.float32),
        interpret=interpret,
    )(kd2, mu_t, ls_t)


def _sc_gather(sol_mean, sol_ls, svt_mean, svt_ls, sol_idx2, svt_idx2):
    info = plsc.get_sparse_core_info()
    NW = info.num_cores * info.num_subcores
    CH = B // NW // 128
    mesh = plsc.VectorSubcoreMesh(core_axis_name="c", subcore_axis_name="s")
    row_t = jax.ShapeDtypeStruct((NW * CH, 128, D), jnp.float32)

    @functools.partial(
        pl.kernel, mesh=mesh,
        compiler_params=pltpu.CompilerParams(use_tc_tiling_on_sc=False),
        out_type=[row_t, row_t, row_t, row_t],
        scratch_types=[
            pltpu.VMEM((CH, 128), jnp.int32),
            pltpu.VMEM((CH, 128), jnp.int32),
            pltpu.VMEM((CH, 128, D), jnp.float32),
            pltpu.VMEM((CH, 128, D), jnp.float32),
            pltpu.VMEM((CH, 128, D), jnp.float32),
            pltpu.VMEM((CH, 128, D), jnp.float32),
            pltpu.SemaphoreType.DMA,
        ],
    )
    def k(sm, sl, vm, vl, si, vi, o1, o2, o3, o4, si_v, vi_v, r1, r2, r3, r4,
          sem):
        wid = lax.axis_index("s") * info.num_cores + lax.axis_index("c")
        base = wid * CH
        pltpu.sync_copy(si.at[pl.ds(base, CH)], si_v)
        pltpu.sync_copy(vi.at[pl.ds(base, CH)], vi_v)
        copies = []
        for c in range(CH):
            copies.append(pltpu.async_copy(sm.at[si_v.at[c]], r1.at[c], sem))
            copies.append(pltpu.async_copy(sl.at[si_v.at[c]], r2.at[c], sem))
            copies.append(pltpu.async_copy(vm.at[vi_v.at[c]], r3.at[c], sem))
            copies.append(pltpu.async_copy(vl.at[vi_v.at[c]], r4.at[c], sem))
        for cp in copies:
            cp.wait()
        pltpu.sync_copy(r1, o1.at[pl.ds(base, CH)])
        pltpu.sync_copy(r2, o2.at[pl.ds(base, CH)])
        pltpu.sync_copy(r3, o3.at[pl.ds(base, CH)])
        pltpu.sync_copy(r4, o4.at[pl.ds(base, CH)])

    return k(sol_mean, sol_ls, svt_mean, svt_ls, sol_idx2, svt_idx2)


def kernel(solutes_mean, solutes_log_std, solvents_mean, solvents_log_std,
           solutes_idx, solvents_idx):
    key = jax.random.key(42)
    k1, k2 = jax.random.split(key)
    kd1 = jax.random.key_data(k1).astype(jnp.uint32)
    kd2 = jax.random.key_data(k2).astype(jnp.uint32)

    g1, g2, g3, g4 = _sc_gather(
        solutes_mean, solutes_log_std, solvents_mean, solvents_log_std,
        solutes_idx.reshape(128, 128), solvents_idx.reshape(128, 128))
    sol_mu = g1.reshape(B, D).T
    sol_ls = g2.reshape(B, D).T
    svt_mu = g3.reshape(B, D).T
    svt_ls = g4.reshape(B, D).T

    sol = jnp.transpose(_sample_tc(kd1, sol_mu, sol_ls), (0, 2, 1))
    svt = jnp.transpose(_sample_tc(kd2, svt_mu, svt_ls), (0, 2, 1))
    return (sol, svt)

# --- scband reference (transcript-rebuilt; emitter-appended) ---
"""Pipeline reference for scband-gaussian-probabilistic-matrix-factorization-81930796138573 (READ-ONLY COPY).

The authoritative reference and input builder live on the scoring server;
editing this copy changes nothing except your own understanding.
"""

import jax, jax.numpy as jnp
import numpy as np

N_SOLUTES = 100000
N_SOLVENTS = 1000
D = 32
S = 16
B = 16384

def setup_inputs(seed: int = 0) -> dict:
    key = jax.random.key(seed)
    ks = jax.random.split(key, 6)
    solutes_idx = jax.random.randint(ks[0], (B,), 0, N_SOLUTES, dtype=jnp.int64 if jax.config.jax_enable_x64 else jnp.int32)
    solvents_idx = jax.random.randint(ks[1], (B,), 0, N_SOLVENTS, dtype=jnp.int64 if jax.config.jax_enable_x64 else jnp.int32)
    solutes_mean = jax.random.normal(ks[2], (N_SOLUTES, D), dtype=jnp.float32) * 0.1
    solutes_log_std = jax.random.normal(ks[3], (N_SOLUTES, D), dtype=jnp.float32) * 0.1 - 2.0
    solvents_mean = jax.random.normal(ks[4], (N_SOLVENTS, D), dtype=jnp.float32) * 0.1
    solvents_log_std = jax.random.normal(ks[5], (N_SOLVENTS, D), dtype=jnp.float32) * 0.1 - 2.0
    return {
        'solutes_mean': solutes_mean,
        'solutes_log_std': solutes_log_std,
        'solvents_mean': solvents_mean,
        'solvents_log_std': solvents_log_std,
        'solutes_idx': solutes_idx,
        'solvents_idx': solvents_idx,
    }

def _sample_and_get(mean, log_std, idx, n_samples, key):
    # DiagonalVariationalGaussianFactor.sample_and_get: gather mean/std at idx,
    # reparameterized sampling: mu + sigma * eps with eps ~ N(0, I)
    mu = jnp.take(mean, idx, axis=0)          # [B, D]
    sigma = jnp.exp(jnp.take(log_std, idx, axis=0))  # [B, D]
    eps = jax.random.normal(key, (n_samples,) + mu.shape, dtype=mu.dtype)  # [S, B, D]
    return mu[None, :, :] + sigma[None, :, :] * eps

def reference(solutes_mean, solutes_log_std, solvents_mean, solvents_log_std, solutes_idx, solvents_idx):
    key = jax.random.key(42)
    k1, k2 = jax.random.split(key)
    solutes_sample = _sample_and_get(solutes_mean, solutes_log_std, solutes_idx.reshape(-1), S, k1)
    solvents_sample = _sample_and_get(solvents_mean, solvents_log_std, solvents_idx.reshape(-1), S, k2)
    return (solutes_sample, solvents_sample)

if __name__ == "__main__":
    import jax
    _d = setup_inputs()
    print(jax.jit(kernel)(*tuple(_d.values())))

</pallas_src>

<mosaic_0001>
#map = affine_map<(d0, d1) -> (0, 0)>
#map1 = affine_map<(d0, d1) -> (0, 0, 0)>
module attributes {stable_mosaic.version = 14 : i64} {
  func.func @k(%arg0: i32, %arg1: i32, %arg2: memref<100000x32xf32, #tpu.memory_space<hbm>>, %arg3: memref<100000x32xf32, #tpu.memory_space<hbm>>, %arg4: memref<1000x32xf32, #tpu.memory_space<hbm>>, %arg5: memref<1000x32xf32, #tpu.memory_space<hbm>>, %arg6: memref<128x128xi32, #tpu.memory_space<hbm>>, %arg7: memref<128x128xi32, #tpu.memory_space<hbm>>, %arg8: memref<128x128x32xf32, #tpu.memory_space<hbm>>, %arg9: memref<128x128x32xf32, #tpu.memory_space<hbm>>, %arg10: memref<128x128x32xf32, #tpu.memory_space<hbm>>, %arg11: memref<128x128x32xf32, #tpu.memory_space<hbm>>, %arg12: memref<4x128xi32, #tpu.memory_space<vmem>>, %arg13: memref<4x128xi32, #tpu.memory_space<vmem>>, %arg14: memref<4x128x32xf32, #tpu.memory_space<vmem>>, %arg15: memref<4x128x32xf32, #tpu.memory_space<vmem>>, %arg16: memref<4x128x32xf32, #tpu.memory_space<vmem>>, %arg17: memref<4x128x32xf32, #tpu.memory_space<vmem>>, %arg18: memref<!tpu.dma_semaphore, #tpu.memory_space<semaphore_mem>>) attributes {dimension_semantics = [#tpu.dimension_semantics<core_parallel>, #tpu.dimension_semantics<subcore_parallel>], iteration_bounds = array<i64: 2, 16>, scalar_prefetch = 0 : i64, scratch_operands = 7 : i64, tpu.core_type = #tpu.core_type<sc_vector_subcore>, window_params = [{transform_indices = #map}, {transform_indices = #map}, {transform_indices = #map}, {transform_indices = #map}, {transform_indices = #map}, {transform_indices = #map}, {transform_indices = #map1}, {transform_indices = #map1}, {transform_indices = #map1}, {transform_indices = #map1}]} {
    %mul3A = arith.constant 2 : i32
    %mul3A_0 = arith.muli %arg1, %mul3A : i32
    %add3A = arith.addi %mul3A_0, %arg0 : i32
    %mul3A_1 = arith.constant 4 : i32
    %mul3A_2 = arith.muli %add3A, %mul3A_1 : i32
    "tpu.region"() ({
      %run_scoped3A = tpu.sem_alloc : memref<!tpu.dma_semaphore, #tpu.memory_space<semaphore_mem>>
      %dma_start3A_385 = arith.constant 0 : i32
      %dma_start3A_386 = tpu.memref_slice %arg6[%mul3A_2, %dma_start3A_385] : memref<128x128xi32, #tpu.memory_space<hbm>> -> memref<4x128xi32, #tpu.memory_space<hbm>>
      %dma_start3A_387 = arith.constant 0 : i32
      %dma_start3A_388 = tpu.memref_slice %arg6[%mul3A_2, %dma_start3A_387] : memref<128x128xi32, #tpu.memory_space<hbm>> -> memref<4x128xi32, #tpu.memory_space<hbm>>
      tpu.enqueue_dma source(%dma_start3A_388 : memref<4x128xi32, #tpu.memory_space<hbm>>) target(%arg12 : memref<4x128xi32, #tpu.memory_space<vmem>>) target_semaphore(%run_scoped3A : memref<!tpu.dma_semaphore, #tpu.memory_space<semaphore_mem>>)
      %dma_wait3A_389 = arith.constant 0 : i32
      %dma_wait3A_390 = tpu.memref_slice %arg6[%mul3A_2, %dma_wait3A_389] : memref<128x128xi32, #tpu.memory_space<hbm>> -> memref<4x128xi32, #tpu.memory_space<hbm>>
      %dma_wait3A_391 = arith.constant 0 : i32
      %dma_wait3A_392 = tpu.memref_slice %arg6[%mul3A_2, %dma_wait3A_391] : memref<128x128xi32, #tpu.memory_space<hbm>> -> memref<4x128xi32, #tpu.memory_space<hbm>>
      tpu.wait_dma2 semaphore(%run_scoped3A : memref<!tpu.dma_semaphore, #tpu.memory_space<semaphore_mem>>) src(%dma_wait3A_392 : memref<4x128xi32, #tpu.memory_space<hbm>>) dst(%arg12 : memref<4x128xi32, #tpu.memory_space<vmem>>)
      tpu.yield
    }) : () -> ()
    "tpu.region"() ({
      %run_scoped3A = tpu.sem_alloc : memref<!tpu.dma_semaphore, #tpu.memory_space<semaphore_mem>>
      %dma_start3A_385 = arith.constant 0 : i32
      %dma_start3A_386 = tpu.memref_slice %arg7[%mul3A_2, %dma_start3A_385] : memref<128x128xi32, #tpu.memory_space<hbm>> -> memref<4x128xi32, #tpu.memory_space<hbm>>
      %dma_start3A_387 = arith.constant 0 : i32
      %dma_start3A_388 = tpu.memref_slice %arg7[%mul3A_2, %dma_start3A_387] : memref<128x128xi32, #tpu.memory_space<hbm>> -> memref<4x128xi32, #tpu.memory_space<hbm>>
      tpu.enqueue_dma source(%dma_start3A_388 : memref<4x128xi32, #tpu.memory_space<hbm>>) target(%arg13 : memref<4x128xi32, #tpu.memory_space<vmem>>) target_semaphore(%run_scoped3A : memref<!tpu.dma_semaphore, #tpu.memory_space<semaphore_mem>>)
      %dma_wait3A_389 = arith.constant 0 : i32
      %dma_wait3A_390 = tpu.memref_slice %arg7[%mul3A_2, %dma_wait3A_389] : memref<128x128xi32, #tpu.memory_space<hbm>> -> memref<4x128xi32, #tpu.memory_space<hbm>>
      %dma_wait3A_391 = arith.constant 0 : i32
      %dma_wait3A_392 = tpu.memref_slice %arg7[%mul3A_2, %dma_wait3A_391] : memref<128x128xi32, #tpu.memory_space<hbm>> -> memref<4x128xi32, #tpu.memory_space<hbm>>
      tpu.wait_dma2 semaphore(%run_scoped3A : memref<!tpu.dma_semaphore, #tpu.memory_space<semaphore_mem>>) src(%dma_wait3A_392 : memref<4x128xi32, #tpu.memory_space<hbm>>) dst(%arg13 : memref<4x128xi32, #tpu.memory_space<vmem>>)
      tpu.yield
    }) : () -> ()
    %dma_start3A = arith.constant 0 : i32
    %dma_start3A_3 = arith.constant 0 : i32
    %dma_start3A_4 = arith.constant 0 : i32
    %dma_start3A_5 = arith.constant 0 : i32
    %dma_start3A_6 = tpu.memref_slice %arg14[%dma_start3A_3, %dma_start3A_4, %dma_start3A_5] : memref<4x128x32xf32, #tpu.memory_space<vmem>> -> memref<1x128x32xf32, #tpu.memory_space<vmem>>
    %dma_start3A_7 = tpu.memref_squeeze %dma_start3A_6 : memref<1x128x32xf32, #tpu.memory_space<vmem>> -> memref<128x32xf32, #tpu.memory_space<vmem>>
    %dma_start3A_8 = arith.constant 0 : i32
    %dma_start3A_9 = tpu.memref_slice %arg12[%dma_start3A, %dma_start3A_8] : memref<4x128xi32, #tpu.memory_space<vmem>> -> memref<1x128xi32, #tpu.memory_space<vmem>>
    %dma_start3A_10 = tpu.memref_squeeze %dma_start3A_9 : memref<1x128xi32, #tpu.memory_space<vmem>> -> memref<128xi32, #tpu.memory_space<vmem>>
    %dma_start3A_11 = arith.constant 0 : i32
    %dma_start3A_12 = arith.constant 0 : i32
    %dma_start3A_13 = tpu.memref_slice %arg2[%dma_start3A_11, %dma_start3A_12] : memref<100000x32xf32, #tpu.memory_space<hbm>> -> memref<100000x32xf32, #tpu.memory_space<hbm>>
    tpu.enqueue_indirect_dma source(%dma_start3A_13 : memref<100000x32xf32, #tpu.memory_space<hbm>>) target(%dma_start3A_7 : memref<128x32xf32, #tpu.memory_space<vmem>>) offsets(%dma_start3A_10 : memref<128xi32, #tpu.memory_space<vmem>>) semaphore(%arg18 : memref<!tpu.dma_semaphore, #tpu.memory_space<semaphore_mem>>)
    %dma_start3A_14 = arith.constant 0 : i32
    %dma_start3A_15 = arith.constant 0 : i32
    %dma_start3A_16 = arith.constant 0 : i32
    %dma_start3A_17 = arith.constant 0 : i32
    %dma_start3A_18 = tpu.memref_slice %arg15[%dma_start3A_15, %dma_start3A_16, %dma_start3A_17] : memref<4x128x32xf32, #tpu.memory_space<vmem>> -> memref<1x128x32xf32, #tpu.memory_space<vmem>>
    %dma_start3A_19 = tpu.memref_squeeze %dma_start3A_18 : memref<1x128x32xf32, #tpu.memory_space<vmem>> -> memref<128x32xf32, #tpu.memory_space<vmem>>
    %dma_start3A_20 = arith.constant 0 : i32
    %dma_start3A_21 = tpu.memref_slice %arg12[%dma_start3A_14, %dma_start3A_20] : memref<4x128xi32, #tpu.memory_space<vmem>> -> memref<1x128xi32, #tpu.memory_space<vmem>>
    %dma_start3A_22 = tpu.memref_squeeze %dma_start3A_21 : memref<1x128xi32, #tpu.memory_space<vmem>> -> memref<128xi32, #tpu.memory_space<vmem>>
    %dma_start3A_23 = arith.constant 0 : i32
    %dma_start3A_24 = arith.constant 0 : i32
    %dma_start3A_25 = tpu.memref_slice %arg3[%dma_start3A_23, %dma_start3A_24] : memref<100000x32xf32, #tpu.memory_space<hbm>> -> memref<100000x32xf32, #tpu.memory_space<hbm>>
    tpu.enqueue_indirect_dma source(%dma_start3A_25 : memref<100000x32xf32, #tpu.memory_space<hbm>>) target(%dma_start3A_19 : memref<128x32xf32, #tpu.memory_space<vmem>>) offsets(%dma_start3A_22 : memref<128xi32, #tpu.memory_space<vmem>>) semaphore(%arg18 : memref<!tpu.dma_semaphore, #tpu.memory_space<semaphore_mem>>)
    %dma_start3A_26 = arith.constant 0 : i32
    %dma_start3A_27 = arith.constant 0 : i32
    %dma_start3A_28 = arith.constant 0 : i32
    %dma_start3A_29 = arith.constant 0 : i32
    %dma_start3A_30 = tpu.memref_slice %arg16[%dma_start3A_27, %dma_start3A_28, %dma_start3A_29] : memref<4x128x32xf32, #tpu.memory_space<vmem>> -> memref<1x128x32xf32, #tpu.memory_space<vmem>>
    %dma_start3A_31 = tpu.memref_squeeze %dma_start3A_30 : memref<1x128x32xf32, #tpu.memory_space<vmem>> -> memref<128x32xf32, #tpu.memory_space<vmem>>
    %dma_start3A_32 = arith.constant 0 : i32
    %dma_start3A_33 = tpu.memref_slice %arg13[%dma_start3A_26, %dma_start3A_32] : memref<4x128xi32, #tpu.memory_space<vmem>> -> memref<1x128xi32, #tpu.memory_space<vmem>>
    %dma_start3A_34 = tpu.memref_squeeze %dma_start3A_33 : memref<1x128xi32, #tpu.memory_space<vmem>> -> memref<128xi32, #tpu.memory_space<vmem>>
    %dma_start3A_35 = arith.constant 0 : i32
    %dma_start3A_36 = arith.constant 0 : i32
    %dma_start3A_37 = tpu.memref_slice %arg4[%dma_start3A_35, %dma_start3A_36] : memref<1000x32xf32, #tpu.memory_space<hbm>> -> memref<1000x32xf32, #tpu.memory_space<hbm>>
    tpu.enqueue_indirect_dma source(%dma_start3A_37 : memref<1000x32xf32, #tpu.memory_space<hbm>>) target(%dma_start3A_31 : memref<128x32xf32, #tpu.memory_space<vmem>>) offsets(%dma_start3A_34 : memref<128xi32, #tpu.memory_space<vmem>>) semaphore(%arg18 : memref<!tpu.dma_semaphore, #tpu.memory_space<semaphore_mem>>)
    %dma_start3A_38 = arith.constant 0 : i32
    %dma_start3A_39 = arith.constant 0 : i32
    %dma_start3A_40 = arith.constant 0 : i32
    %dma_start3A_41 = arith.constant 0 : i32
    %dma_start3A_42 = tpu.memref_slice %arg17[%dma_start3A_39, %dma_start3A_40, %dma_start3A_41] : memref<4x128x32xf32, #tpu.memory_space<vmem>> -> memref<1x128x32xf32, #tpu.memory_space<vmem>>
    %dma_start3A_43 = tpu.memref_squeeze %dma_start3A_42 : memref<1x128x32xf32, #tpu.memory_space<vmem>> -> memref<128x32xf32, #tpu.memory_space<vmem>>
    %dma_start3A_44 = arith.constant 0 : i32
    %dma_start3A_45 = tpu.memref_slice %arg13[%dma_start3A_38, %dma_start3A_44] : memref<4x128xi32, #tpu.memory_space<vmem>> -> memref<1x128xi32, #tpu.memory_space<vmem>>
    %dma_start3A_46 = tpu.memref_squeeze %dma_start3A_45 : memref<1x128xi32, #tpu.memory_space<vmem>> -> memref<128xi32, #tpu.memory_space<vmem>>
    %dma_start3A_47 = arith.constant 0 : i32
    %dma_start3A_48 = arith.constant 0 : i32
    %dma_start3A_49 = tpu.memref_slice %arg5[%dma_start3A_47, %dma_start3A_48] : memref<1000x32xf32, #tpu.memory_space<hbm>> -> memref<1000x32xf32, #tpu.memory_space<hbm>>
    tpu.enqueue_indirect_dma source(%dma_start3A_49 : memref<1000x32xf32, #tpu.memory_space<hbm>>) target(%dma_start3A_43 : memref<128x32xf32, #tpu.memory_space<vmem>>) offsets(%dma_start3A_46 : memref<128xi32, #tpu.memory_space<vmem>>) semaphore(%arg18 : memref<!tpu.dma_semaphore, #tpu.memory_space<semaphore_mem>>)
    %dma_start3A_50 = arith.constant 1 : i32
    %dma_start3A_51 = arith.constant 1 : i32
    %dma_start3A_52 = arith.constant 0 : i32
    %dma_start3A_53 = arith.constant 0 : i32
    %dma_start3A_54 = tpu.memref_slice %arg14[%dma_start3A_51, %dma_start3A_52, %dma_start3A_53] : memref<4x128x32xf32, #tpu.memory_space<vmem>> -> memref<1x128x32xf32, #tpu.memory_space<vmem>>
    %dma_start3A_55 = tpu.memref_squeeze %dma_start3A_54 : memref<1x128x32xf32, #tpu.memory_space<vmem>> -> memref<128x32xf32, #tpu.memory_space<vmem>>
    %dma_start3A_56 = arith.constant 0 : i32
    %dma_start3A_57 = tpu.memref_slice %arg12[%dma_start3A_50, %dma_start3A_56] : memref<4x128xi32, #tpu.memory_space<vmem>> -> memref<1x128xi32, #tpu.memory_space<vmem>>
    %dma_start3A_58 = tpu.memref_squeeze %dma_start3A_57 : memref<1x128xi32, #tpu.memory_space<vmem>> -> memref<128xi32, #tpu.memory_space<vmem>>
    %dma_start3A_59 = arith.constant 0 : i32
    %dma_start3A_60 = arith.constant 0 : i32
    %dma_start3A_61 = tpu.memref_slice %arg2[%dma_start3A_59, %dma_start3A_60] : memref<100000x32xf32, #tpu.memory_space<hbm>> -> memref<100000x32xf32, #tpu.memory_space<hbm>>
    tpu.enqueue_indirect_dma source(%dma_start3A_61 : memref<100000x32xf32, #tpu.memory_space<hbm>>) target(%dma_start3A_55 : memref<128x32xf32, #tpu.memory_space<vmem>>) offsets(%dma_start3A_58 : memref<128xi32, #tpu.memory_space<vmem>>) semaphore(%arg18 : memref<!tpu.dma_semaphore, #tpu.memory_space<semaphore_mem>>)
    %dma_start3A_62 = arith.constant 1 : i32
    %dma_start3A_63 = arith.constant 1 : i32
    %dma_start3A_64 = arith.constant 0 : i32
    %dma_start3A_65 = arith.constant 0 : i32
    %dma_start3A_66 = tpu.memref_slice %arg15[%dma_start3A_63, %dma_start3A_64, %dma_start3A_65] : memref<4x128x32xf32, #tpu.memory_space<vmem>> -> memref<1x128x32xf32, #tpu.memory_space<vmem>>
    %dma_start3A_67 = tpu.memref_squeeze %dma_start3A_66 : memref<1x128x32xf32, #tpu.memory_space<vmem>> -> memref<128x32xf32, #tpu.memory_space<vmem>>
    %dma_start3A_68 = arith.constant 0 : i32
    %dma_start3A_69 = tpu.memref_slice %arg12[%dma_start3A_62, %dma_start3A_68] : memref<4x128xi32, #tpu.memory_space<vmem>> -> memref<1x128xi32, #tpu.memory_space<vmem>>
    %dma_start3A_70 = tpu.memref_squeeze %dma_start3A_69 : memref<1x128xi32, #tpu.memory_space<vmem>> -> memref<128xi32, #tpu.memory_space<vmem>>
    %dma_start3A_71 = arith.constant 0 : i32
    %dma_start3A_72 = arith.constant 0 : i32
    %dma_start3A_73 = tpu.memref_slice %arg3[%dma_start3A_71, %dma_start3A_72] : memref<100000x32xf32, #tpu.memory_space<hbm>> -> memref<100000x32xf32, #tpu.memory_space<hbm>>
    tpu.enqueue_indirect_dma source(%dma_start3A_73 : memref<100000x32xf32, #tpu.memory_space<hbm>>) target(%dma_start3A_67 : memref<128x32xf32, #tpu.memory_space<vmem>>) offsets(%dma_start3A_70 : memref<128xi32, #tpu.memory_space<vmem>>) semaphore(%arg18 : memref<!tpu.dma_semaphore, #tpu.memory_space<semaphore_mem>>)
    %dma_start3A_74 = arith.constant 1 : i32
    %dma_start3A_75 = arith.constant 1 : i32
    %dma_start3A_76 = arith.constant 0 : i32
    %dma_start3A_77 = arith.constant 0 : i32
    %dma_start3A_78 = tpu.memref_slice %arg16[%dma_start3A_75, %dma_start3A_76, %dma_start3A_77] : memref<4x128x32xf32, #tpu.memory_space<vmem>> -> memref<1x128x32xf32, #tpu.memory_space<vmem>>
    %dma_start3A_79 = tpu.memref_squeeze %dma_start3A_78 : memref<1x128x32xf32, #tpu.memory_space<vmem>> -> memref<128x32xf32, #tpu.memory_space<vmem>>
    %dma_start3A_80 = arith.constant 0 : i32
    %dma_start3A_81 = tpu.memref_slice %arg13[%dma_start3A_74, %dma_start3A_80] : memref<4x128xi32, #tpu.memory_space<vmem>> -> memref<1x128xi32, #tpu.memory_space<vmem>>
    %dma_start3A_82 = tpu.memref_squeeze %dma_start3A_81 : memref<1x128xi32, #tpu.memory_space<vmem>> -> memref<128xi32, #tpu.memory_space<vmem>>
    %dma_start3A_83 = arith.constant 0 : i32
    %dma_start3A_84 = arith.constant 0 : i32
    %dma_start3A_85 = tpu.memref_slice %arg4[%dma_start3A_83, %dma_start3A_84] : memref<1000x32xf32, #tpu.memory_space<hbm>> -> memref<1000x32xf32, #tpu.memory_space<hbm>>
    tpu.enqueue_indirect_dma source(%dma_start3A_85 : memref<1000x32xf32, #tpu.memory_space<hbm>>) target(%dma_start3A_79 : memref<128x32xf32, #tpu.memory_space<vmem>>) offsets(%dma_start3A_82 : memref<128xi32, #tpu.memory_space<vmem>>) semaphore(%arg18 : memref<!tpu.dma_semaphore, #tpu.memory_space<semaphore_mem>>)
    %dma_start3A_86 = arith.constant 1 : i32
    %dma_start3A_87 = arith.constant 1 : i32
    %dma_start3A_88 = arith.constant 0 : i32
    %dma_start3A_89 = arith.constant 0 : i32
    %dma_start3A_90 = tpu.memref_slice %arg17[%dma_start3A_87, %dma_start3A_88, %dma_start3A_89] : memref<4x128x32xf32, #tpu.memory_space<vmem>> -> memref<1x128x32xf32, #tpu.memory_space<vmem>>
    %dma_start3A_91 = tpu.memref_squeeze %dma_start3A_90 : memref<1x128x32xf32, #tpu.memory_space<vmem>> -> memref<128x32xf32, #tpu.memory_space<vmem>>
    %dma_start3A_92 = arith.constant 0 : i32
    %dma_start3A_93 = tpu.memref_slice %arg13[%dma_start3A_86, %dma_start3A_92] : memref<4x128xi32, #tpu.memory_space<vmem>> -> memref<1x128xi32, #tpu.memory_space<vmem>>
    %dma_start3A_94 = tpu.memref_squeeze %dma_start3A_93 : memref<1x128xi32, #tpu.memory_space<vmem>> -> memref<128xi32, #tpu.memory_space<vmem>>
    %dma_start3A_95 = arith.constant 0 : i32
    %dma_start3A_96 = arith.constant 0 : i32
    %dma_start3A_97 = tpu.memref_slice %arg5[%dma_start3A_95, %dma_start3A_96] : memref<1000x32xf32, #tpu.memory_space<hbm>> -> memref<1000x32xf32, #tpu.memory_space<hbm>>
    tpu.enqueue_indirect_dma source(%dma_start3A_97 : memref<1000x32xf32, #tpu.memory_space<hbm>>) target(%dma_start3A_91 : memref<128x32xf32, #tpu.memory_space<vmem>>) offsets(%dma_start3A_94 : memref<128xi32, #tpu.memory_space<vmem>>) semaphore(%arg18 : memref<!tpu.dma_semaphore, #tpu.memory_space<semaphore_mem>>)
    %dma_start3A_98 = arith.constant 2 : i32
    %dma_start3A_99 = arith.constant 2 : i32
    %dma_start3A_100 = arith.constant 0 : i32
    %dma_start3A_101 = arith.constant 0 : i32
    %dma_start3A_102 = tpu.memref_slice %arg14[%dma_start3A_99, %dma_start3A_100, %dma_start3A_101] : memref<4x128x32xf32, #tpu.memory_space<vmem>> -> memref<1x128x32xf32, #tpu.memory_space<vmem>>
    %dma_start3A_103 = tpu.memref_squeeze %dma_start3A_102 : memref<1x128x32xf32, #tpu.memory_space<vmem>> -> memref<128x32xf32, #tpu.memory_space<vmem>>
    %dma_start3A_104 = arith.constant 0 : i32
    %dma_start3A_105 = tpu.memref_slice %arg12[%dma_start3A_98, %dma_start3A_104] : memref<4x128xi32, #tpu.memory_space<vmem>> -> memref<1x128xi32, #tpu.memory_space<vmem>>
    %dma_start3A_106 = tpu.memref_squeeze %dma_start3A_105 : memref<1x128xi32, #tpu.memory_space<vmem>> -> memref<128xi32, #tpu.memory_space<vmem>>
    %dma_start3A_107 = arith.constant 0 : i32
    %dma_start3A_108 = arith.constant 0 : i32
    %dma_start3A_109 = tpu.memref_slice %arg2[%dma_start3A_107, %dma_start3A_108] : memref<100000x32xf32, #tpu.memory_space<hbm>> -> memref<100000x32xf32, #tpu.memory_space<hbm>>
    tpu.enqueue_indirect_dma source(%dma_start3A_109 : memref<100000x32xf32, #tpu.memory_space<hbm>>) target(%dma_start3A_103 : memref<128x32xf32, #tpu.memory_space<vmem>>) offsets(%dma_start3A_106 : memref<128xi32, #tpu.memory_space<vmem>>) semaphore(%arg18 : memref<!tpu.dma_semaphore, #tpu.memory_space<semaphore_mem>>)
    %dma_start3A_110 = arith.constant 2 : i32
    %dma_start3A_111 = arith.constant 2 : i32
    %dma_start3A_112 = arith.constant 0 : i32
    %dma_start3A_113 = arith.constant 0 : i32
    %dma_start3A_114 = tpu.memref_slice %arg15[%dma_start3A_111, %dma_start3A_112, %dma_start3A_113] : memref<4x128x32xf32, #tpu.memory_space<vmem>> -> memref<1x128x32xf32, #tpu.memory_space<vmem>>
    %dma_start3A_115 = tpu.memref_squeeze %dma_start3A_114 : memref<1x128x32xf32, #tpu.memory_space<vmem>> -> memref<128x32xf32, #tpu.memory_space<vmem>>
    %dma_start3A_116 = arith.constant 0 : i32
    %dma_start3A_117 = tpu.memref_slice %arg12[%dma_start3A_110, %dma_start3A_116] : memref<4x128xi32, #tpu.memory_space<vmem>> -> memref<1x128xi32, #tpu.memory_space<vmem>>
    %dma_start3A_118 = tpu.memref_squeeze %dma_start3A_117 : memref<1x128xi32, #tpu.memory_space<vmem>> -> memref<128xi32, #tpu.memory_space<vmem>>
    %dma_start3A_119 = arith.constant 0 : i32
    %dma_start3A_120 = arith.constant 0 : i32
    %dma_start3A_121 = tpu.memref_slice %arg3[%dma_start3A_119, %dma_start3A_120] : memref<100000x32xf32, #tpu.memory_space<hbm>> -> memref<100000x32xf32, #tpu.memory_space<hbm>>
    tpu.enqueue_indirect_dma source(%dma_start3A_121 : memref<100000x32xf32, #tpu.memory_space<hbm>>) target(%dma_start3A_115 : memref<128x32xf32, #tpu.memory_space<vmem>>) offsets(%dma_start3A_118 : memref<128xi32, #tpu.memory_space<vmem>>) semaphore(%arg18 : memref<!tpu.dma_semaphore, #tpu.memory_space<semaphore_mem>>)
    %dma_start3A_122 = arith.constant 2 : i32
    %dma_start3A_123 = arith.constant 2 : i32
    %dma_start3A_124 = arith.constant 0 : i32
    %dma_start3A_125 = arith.constant 0 : i32
    %dma_start3A_126 = tpu.memref_slice %arg16[%dma_start3A_123, %dma_start3A_124, %dma_start3A_125] : memref<4x128x32xf32, #tpu.memory_space<vmem>> -> memref<1x128x32xf32, #tpu.memory_space<vmem>>
    %dma_start3A_127 = tpu.memref_squeeze %dma_start3A_126 : memref<1x128x32xf32, #tpu.memory_space<vmem>> -> memref<128x32xf32, #tpu.memory_space<vmem>>
    %dma_start3A_128 = arith.constant 0 : i32
    %dma_start3A_129 = tpu.memref_slice %arg13[%dma_start3A_122, %dma_start3A_128] : memref<4x128xi32, #tpu.memory_space<vmem>> -> memref<1x128xi32, #tpu.memory_space<vmem>>
    %dma_start3A_130 = tpu.memref_squeeze %dma_start3A_129 : memref<1x128xi32, #tpu.memory_space<vmem>> -> memref<128xi32, #tpu.memory_space<vmem>>
    %dma_start3A_131 = arith.constant 0 : i32
    %dma_start3A_132 = arith.constant 0 : i32
    %dma_start3A_133 = tpu.memref_slice %arg4[%dma_start3A_131, %dma_start3A_132] : memref<1000x32xf32, #tpu.memory_space<hbm>> -> memref<1000x32xf32, #tpu.memory_space<hbm>>
    tpu.enqueue_indirect_dma source(%dma_start3A_133 : memref<1000x32xf32, #tpu.memory_space<hbm>>) target(%dma_start3A_127 : memref<128x32xf32, #tpu.memory_space<vmem>>) offsets(%dma_start3A_130 : memref<128xi32, #tpu.memory_space<vmem>>) semaphore(%arg18 : memref<!tpu.dma_semaphore, #tpu.memory_space<semaphore_mem>>)
    %dma_start3A_134 = arith.constant 2 : i32
    %dma_start3A_135 = arith.constant 2 : i32
    %dma_start3A_136 = arith.constant 0 : i32
    %dma_start3A_137 = arith.constant 0 : i32
    %dma_start3A_138 = tpu.memref_slice %arg17[%dma_start3A_135, %dma_start3A_136, %dma_start3A_137] : memref<4x128x32xf32, #tpu.memory_space<vmem>> -> memref<1x128x32xf32, #tpu.memory_space<vmem>>
    %dma_start3A_139 = tpu.memref_squeeze %dma_start3A_138 : memref<1x128x32xf32, #tpu.memory_space<vmem>> -> memref<128x32xf32, #tpu.memory_space<vmem>>
    %dma_start3A_140 = arith.constant 0 : i32
    %dma_start3A_141 = tpu.memref_slice %arg13[%dma_start3A_134, %dma_start3A_140] : memref<4x128xi32, #tpu.memory_space<vmem>> -> memref<1x128xi32, #tpu.memory_space<vmem>>
    %dma_start3A_142 = tpu.memref_squeeze %dma_start3A_141 : memref<1x128xi32, #tpu.memory_space<vmem>> -> memref<128xi32, #tpu.memory_space<vmem>>
    %dma_start3A_143 = arith.constant 0 : i32
    %dma_start3A_144 = arith.constant 0 : i32
    %dma_start3A_145 = tpu.memref_slice %arg5[%dma_start3A_143, %dma_start3A_144] : memref<1000x32xf32, #tpu.memory_space<hbm>> -> memref<1000x32xf32, #tpu.memory_space<hbm>>
    tpu.enqueue_indirect_dma source(%dma_start3A_145 : memref<1000x32xf32, #tpu.memory_space<hbm>>) target(%dma_start3A_139 : memref<128x32xf32, #tpu.memory_space<vmem>>) offsets(%dma_start3A_142 : memref<128xi32, #tpu.memory_space<vmem>>) semaphore(%arg18 : memref<!tpu.dma_semaphore, #tpu.memory_space<semaphore_mem>>)
    %dma_start3A_146 = arith.constant 3 : i32
    %dma_start3A_147 = arith.constant 3 : i32
    %dma_start3A_148 = arith.constant 0 : i32
    %dma_start3A_149 = arith.constant 0 : i32
    %dma_start3A_150 = tpu.memref_slice %arg14[%dma_start3A_147, %dma_start3A_148, %dma_start3A_149] : memref<4x128x32xf32, #tpu.memory_space<vmem>> -> memref<1x128x32xf32, #tpu.memory_space<vmem>>
    %dma_start3A_151 = tpu.memref_squeeze %dma_start3A_150 : memref<1x128x32xf32, #tpu.memory_space<vmem>> -> memref<128x32xf32, #tpu.memory_space<vmem>>
    %dma_start3A_152 = arith.constant 0 : i32
    %dma_start3A_153 = tpu.memref_slice %arg12[%dma_start3A_146, %dma_start3A_152] : memref<4x128xi32, #tpu.memory_space<vmem>> -> memref<1x128xi32, #tpu.memory_space<vmem>>
    %dma_start3A_154 = tpu.memref_squeeze %dma_start3A_153 : memref<1x128xi32, #tpu.memory_space<vmem>> -> memref<128xi32, #tpu.memory_space<vmem>>
    %dma_start3A_155 = arith.constant 0 : i32
    %dma_start3A_156 = arith.constant 0 : i32
    %dma_start3A_157 = tpu.memref_slice %arg2[%dma_start3A_155, %dma_start3A_156] : memref<100000x32xf32, #tpu.memory_space<hbm>> -> memref<100000x32xf32, #tpu.memory_space<hbm>>
    tpu.enqueue_indirect_dma source(%dma_start3A_157 : memref<100000x32xf32, #tpu.memory_space<hbm>>) target(%dma_start3A_151 : memref<128x32xf32, #tpu.memory_space<vmem>>) offsets(%dma_start3A_154 : memref<128xi32, #tpu.memory_space<vmem>>) semaphore(%arg18 : memref<!tpu.dma_semaphore, #tpu.memory_space<semaphore_mem>>)
    %dma_start3A_158 = arith.constant 3 : i32
    %dma_start3A_159 = arith.constant 3 : i32
    %dma_start3A_160 = arith.constant 0 : i32
    %dma_start3A_161 = arith.constant 0 : i32
    %dma_start3A_162 = tpu.memref_slice %arg15[%dma_start3A_159, %dma_start3A_160, %dma_start3A_161] : memref<4x128x32xf32, #tpu.memory_space<vmem>> -> memref<1x128x32xf32, #tpu.memory_space<vmem>>
    %dma_start3A_163 = tpu.memref_squeeze %dma_start3A_162 : memref<1x128x32xf32, #tpu.memory_space<vmem>> -> memref<128x32xf32, #tpu.memory_space<vmem>>
    %dma_start3A_164 = arith.constant 0 : i32
    %dma_start3A_165 = tpu.memref_slice %arg12[%dma_start3A_158, %dma_start3A_164] : memref<4x128xi32, #tpu.memory_space<vmem>> -> memref<1x128xi32, #tpu.memory_space<vmem>>
    %dma_start3A_166 = tpu.memref_squeeze %dma_start3A_165 : memref<1x128xi32, #tpu.memory_space<vmem>> -> memref<128xi32, #tpu.memory_space<vmem>>
    %dma_start3A_167 = arith.constant 0 : i32
    %dma_start3A_168 = arith.constant 0 : i32
    %dma_start3A_169 = tpu.memref_slice %arg3[%dma_start3A_167, %dma_start3A_168] : memref<100000x32xf32, #tpu.memory_space<hbm>> -> memref<100000x32xf32, #tpu.memory_space<hbm>>
    tpu.enqueue_indirect_dma source(%dma_start3A_169 : memref<100000x32xf32, #tpu.memory_space<hbm>>) target(%dma_start3A_163 : memref<128x32xf32, #tpu.memory_space<vmem>>) offsets(%dma_start3A_166 : memref<128xi32, #tpu.memory_space<vmem>>) semaphore(%arg18 : memref<!tpu.dma_semaphore, #tpu.memory_space<semaphore_mem>>)
    %dma_start3A_170 = arith.constant 3 : i32
    %dma_start3A_171 = arith.constant 3 : i32
    %dma_start3A_172 = arith.constant 0 : i32
    %dma_start3A_173 = arith.constant 0 : i32
    %dma_start3A_174 = tpu.memref_slice %arg16[%dma_start3A_171, %dma_start3A_172, %dma_start3A_173] : memref<4x128x32xf32, #tpu.memory_space<vmem>> -> memref<1x128x32xf32, #tpu.memory_space<vmem>>
    %dma_start3A_175 = tpu.memref_squeeze %dma_start3A_174 : memref<1x128x32xf32, #tpu.memory_space<vmem>> -> memref<128x32xf32, #tpu.memory_space<vmem>>
    %dma_start3A_176 = arith.constant 0 : i32
    %dma_start3A_177 = tpu.memref_slice %arg13[%dma_start3A_170, %dma_start3A_176] : memref<4x128xi32, #tpu.memory_space<vmem>> -> memref<1x128xi32, #tpu.memory_space<vmem>>
    %dma_start3A_178 = tpu.memref_squeeze %dma_start3A_177 : memref<1x128xi32, #tpu.memory_space<vmem>> -> memref<128xi32, #tpu.memory_space<vmem>>
    %dma_start3A_179 = arith.constant 0 : i32
    %dma_start3A_180 = arith.constant 0 : i32
    %dma_start3A_181 = tpu.memref_slice %arg4[%dma_start3A_179, %dma_start3A_180] : memref<1000x32xf32, #tpu.memory_space<hbm>> -> memref<1000x32xf32, #tpu.memory_space<hbm>>
    tpu.enqueue_indirect_dma source(%dma_start3A_181 : memref<1000x32xf32, #tpu.memory_space<hbm>>) target(%dma_start3A_175 : memref<128x32xf32, #tpu.memory_space<vmem>>) offsets(%dma_start3A_178 : memref<128xi32, #tpu.memory_space<vmem>>) semaphore(%arg18 : memref<!tpu.dma_semaphore, #tpu.memory_space<semaphore_mem>>)
    %dma_start3A_182 = arith.constant 3 : i32
    %dma_start3A_183 = arith.constant 3 : i32
    %dma_start3A_184 = arith.constant 0 : i32
    %dma_start3A_185 = arith.constant 0 : i32
    %dma_start3A_186 = tpu.memref_slice %arg17[%dma_start3A_183, %dma_start3A_184, %dma_start3A_185] : memref<4x128x32xf32, #tpu.memory_space<vmem>> -> memref<1x128x32xf32, #tpu.memory_space<vmem>>
    %dma_start3A_187 = tpu.memref_squeeze %dma_start3A_186 : memref<1x128x32xf32, #tpu.memory_space<vmem>> -> memref<128x32xf32, #tpu.memory_space<vmem>>
    %dma_start3A_188 = arith.constant 0 : i32
    %dma_start3A_189 = tpu.memref_slice %arg13[%dma_start3A_182, %dma_start3A_188] : memref<4x128xi32, #tpu.memory_space<vmem>> -> memref<1x128xi32, #tpu.memory_space<vmem>>
    %dma_start3A_190 = tpu.memref_squeeze %dma_start3A_189 : memref<1x128xi32, #tpu.memory_space<vmem>> -> memref<128xi32, #tpu.memory_space<vmem>>
    %dma_start3A_191 = arith.constant 0 : i32
    %dma_start3A_192 = arith.constant 0 : i32
    %dma_start3A_193 = tpu.memref_slice %arg5[%dma_start3A_191, %dma_start3A_192] : memref<1000x32xf32, #tpu.memory_space<hbm>> -> memref<1000x32xf32, #tpu.memory_space<hbm>>
    tpu.enqueue_indirect_dma source(%dma_start3A_193 : memref<1000x32xf32, #tpu.memory_space<hbm>>) target(%dma_start3A_187 : memref<128x32xf32, #tpu.memory_space<vmem>>) offsets(%dma_start3A_190 : memref<128xi32, #tpu.memory_space<vmem>>) semaphore(%arg18 : memref<!tpu.dma_semaphore, #tpu.memory_space<semaphore_mem>>)
    %dma_wait3A = arith.constant 0 : i32
    %dma_wait3A_194 = arith.constant 0 : i32
    %dma_wait3A_195 = arith.constant 0 : i32
    %dma_wait3A_196 = arith.constant 0 : i32
    %dma_wait3A_197 = tpu.memref_slice %arg14[%dma_wait3A_194, %dma_wait3A_195, %dma_wait3A_196] : memref<4x128x32xf32, #tpu.memory_space<vmem>> -> memref<1x128x32xf32, #tpu.memory_space<vmem>>
    %dma_wait3A_198 = tpu.memref_squeeze %dma_wait3A_197 : memref<1x128x32xf32, #tpu.memory_space<vmem>> -> memref<128x32xf32, #tpu.memory_space<vmem>>
    %dma_wait3A_199 = arith.constant 0 : i32
    %dma_wait3A_200 = tpu.memref_slice %arg12[%dma_wait3A, %dma_wait3A_199] : memref<4x128xi32, #tpu.memory_space<vmem>> -> memref<1x128xi32, #tpu.memory_space<vmem>>
    %dma_wait3A_201 = tpu.memref_squeeze %dma_wait3A_200 : memref<1x128xi32, #tpu.memory_space<vmem>> -> memref<128xi32, #tpu.memory_space<vmem>>
    %dma_wait3A_202 = arith.constant 0 : i32
    %dma_wait3A_203 = arith.constant 0 : i32
    %dma_wait3A_204 = tpu.memref_slice %arg2[%dma_wait3A_202, %dma_wait3A_203] : memref<100000x32xf32, #tpu.memory_space<hbm>> -> memref<100000x32xf32, #tpu.memory_space<hbm>>
    tpu.wait_indirect_dma semaphore(%arg18 : memref<!tpu.dma_semaphore, #tpu.memory_space<semaphore_mem>>) src(%dma_wait3A_204 : memref<100000x32xf32, #tpu.memory_space<hbm>>) dst(%dma_wait3A_198 : memref<128x32xf32, #tpu.memory_space<vmem>>)
    %dma_wait3A_205 = arith.constant 0 : i32
    %dma_wait3A_206 = arith.constant 0 : i32
    %dma_wait3A_207 = arith.constant 0 : i32
    %dma_wait3A_208 = arith.constant 0 : i32
    %dma_wait3A_209 = tpu.memref_slice %arg15[%dma_wait3A_206, %dma_wait3A_207, %dma_wait3A_208] : memref<4x128x32xf32, #tpu.memory_space<vmem>> -> memref<1x128x32xf32, #tpu.memory_space<vmem>>
    %dma_wait3A_210 = tpu.memref_squeeze %dma_wait3A_209 : memref<1x128x32xf32, #tpu.memory_space<vmem>> -> memref<128x32xf32, #tpu.memory_space<vmem>>
    %dma_wait3A_211 = arith.constant 0 : i32
    %dma_wait3A_212 = tpu.memref_slice %arg12[%dma_wait3A_205, %dma_wait3A_211] : memref<4x128xi32, #tpu.memory_space<vmem>> -> memref<1x128xi32, #tpu.memory_space<vmem>>
    %dma_wait3A_213 = tpu.memref_squeeze %dma_wait3A_212 : memref<1x128xi32, #tpu.memory_space<vmem>> -> memref<128xi32, #tpu.memory_space<vmem>>
    %dma_wait3A_214 = arith.constant 0 : i32
    %dma_wait3A_215 = arith.constant 0 : i32
    %dma_wait3A_216 = tpu.memref_slice %arg3[%dma_wait3A_214, %dma_wait3A_215] : memref<100000x32xf32, #tpu.memory_space<hbm>> -> memref<100000x32xf32, #tpu.memory_space<hbm>>
    tpu.wait_indirect_dma semaphore(%arg18 : memref<!tpu.dma_semaphore, #tpu.memory_space<semaphore_mem>>) src(%dma_wait3A_216 : memref<100000x32xf32, #tpu.memory_space<hbm>>) dst(%dma_wait3A_210 : memref<128x32xf32, #tpu.memory_space<vmem>>)
    %dma_wait3A_217 = arith.constant 0 : i32
    %dma_wait3A_218 = arith.constant 0 : i32
    %dma_wait3A_219 = arith.constant 0 : i32
    %dma_wait3A_220 = arith.constant 0 : i32
    %dma_wait3A_221 = tpu.memref_slice %arg16[%dma_wait3A_218, %dma_wait3A_219, %dma_wait3A_220] : memref<4x128x32xf32, #tpu.memory_space<vmem>> -> memref<1x128x32xf32, #tpu.memory_space<vmem>>
    %dma_wait3A_222 = tpu.memref_squeeze %dma_wait3A_221 : memref<1x128x32xf32, #tpu.memory_space<vmem>> -> memref<128x32xf32, #tpu.memory_space<vmem>>
    %dma_wait3A_223 = arith.constant 0 : i32
    %dma_wait3A_224 = tpu.memref_slice %arg13[%dma_wait3A_217, %dma_wait3A_223] : memref<4x128xi32, #tpu.memory_space<vmem>> -> memref<1x128xi32, #tpu.memory_space<vmem>>
    %dma_wait3A_225 = tpu.memref_squeeze %dma_wait3A_224 : memref<1x128xi32, #tpu.memory_space<vmem>> -> memref<128xi32, #tpu.memory_space<vmem>>
    %dma_wait3A_226 = arith.constant 0 : i32
    %dma_wait3A_227 = arith.constant 0 : i32
    %dma_wait3A_228 = tpu.memref_slice %arg4[%dma_wait3A_226, %dma_wait3A_227] : memref<1000x32xf32, #tpu.memory_space<hbm>> -> memref<1000x32xf32, #tpu.memory_space<hbm>>
    tpu.wait_indirect_dma semaphore(%arg18 : memref<!tpu.dma_semaphore, #tpu.memory_space<semaphore_mem>>) src(%dma_wait3A_228 : memref<1000x32xf32, #tpu.memory_space<hbm>>) dst(%dma_wait3A_222 : memref<128x32xf32, #tpu.memory_space<vmem>>)
    %dma_wait3A_229 = arith.constant 0 : i32
    %dma_wait3A_230 = arith.constant 0 : i32
    %dma_wait3A_231 = arith.constant 0 : i32
    %dma_wait3A_232 = arith.constant 0 : i32
    %dma_wait3A_233 = tpu.memref_slice %arg17[%dma_wait3A_230, %dma_wait3A_231, %dma_wait3A_232] : memref<4x128x32xf32, #tpu.memory_space<vmem>> -> memref<1x128x32xf32, #tpu.memory_space<vmem>>
    %dma_wait3A_234 = tpu.memref_squeeze %dma_wait3A_233 : memref<1x128x32xf32, #tpu.memory_space<vmem>> -> memref<128x32xf32, #tpu.memory_space<vmem>>
    %dma_wait3A_235 = arith.constant 0 : i32
    %dma_wait3A_236 = tpu.memref_slice %arg13[%dma_wait3A_229, %dma_wait3A_235] : memref<4x128xi32, #tpu.memory_space<vmem>> -> memref<1x128xi32, #tpu.memory_space<vmem>>
    %dma_wait3A_237 = tpu.memref_squeeze %dma_wait3A_236 : memref<1x128xi32, #tpu.memory_space<vmem>> -> memref<128xi32, #tpu.memory_space<vmem>>
    %dma_wait3A_238 = arith.constant 0 : i32
    %dma_wait3A_239 = arith.constant 0 : i32
    %dma_wait3A_240 = tpu.memref_slice %arg5[%dma_wait3A_238, %dma_wait3A_239] : memref<1000x32xf32, #tpu.memory_space<hbm>> -> memref<1000x32xf32, #tpu.memory_space<hbm>>
    tpu.wait_indirect_dma semaphore(%arg18 : memref<!tpu.dma_semaphore, #tpu.memory_space<semaphore_mem>>) src(%dma_wait3A_240 : memref<1000x32xf32, #tpu.memory_space<hbm>>) dst(%dma_wait3A_234 : memref<128x32xf32, #tpu.memory_space<vmem>>)
    %dma_wait3A_241 = arith.constant 1 : i32
    %dma_wait3A_242 = arith.constant 1 : i32
    %dma_wait3A_243 = arith.constant 0 : i32
    %dma_wait3A_244 = arith.constant 0 : i32
    %dma_wait3A_245 = tpu.memref_slice %arg14[%dma_wait3A_242, %dma_wait3A_243, %dma_wait3A_244] : memref<4x128x32xf32, #tpu.memory_space<vmem>> -> memref<1x128x32xf32, #tpu.memory_space<vmem>>
    %dma_wait3A_246 = tpu.memref_squeeze %dma_wait3A_245 : memref<1x128x32xf32, #tpu.memory_space<vmem>> -> memref<128x32xf32, #tpu.memory_space<vmem>>
    %dma_wait3A_247 = arith.constant 0 : i32
    %dma_wait3A_248 = tpu.memref_slice %arg12[%dma_wait3A_241, %dma_wait3A_247] : memref<4x128xi32, #tpu.memory_space<vmem>> -> memref<1x128xi32, #tpu.memory_space<vmem>>
    %dma_wait3A_249 = tpu.memref_squeeze %dma_wait3A_248 : memref<1x128xi32, #tpu.memory_space<vmem>> -> memref<128xi32, #tpu.memory_space<vmem>>
    %dma_wait3A_250 = arith.constant 0 : i32
    %dma_wait3A_251 = arith.constant 0 : i32
    %dma_wait3A_252 = tpu.memref_slice %arg2[%dma_wait3A_250, %dma_wait3A_251] : memref<100000x32xf32, #tpu.memory_space<hbm>> -> memref<100000x32xf32, #tpu.memory_space<hbm>>
    tpu.wait_indirect_dma semaphore(%arg18 : memref<!tpu.dma_semaphore, #tpu.memory_space<semaphore_mem>>) src(%dma_wait3A_252 : memref<100000x32xf32, #tpu.memory_space<hbm>>) dst(%dma_wait3A_246 : memref<128x32xf32, #tpu.memory_space<vmem>>)
    %dma_wait3A_253 = arith.constant 1 : i32
    %dma_wait3A_254 = arith.constant 1 : i32
    %dma_wait3A_255 = arith.constant 0 : i32
    %dma_wait3A_256 = arith.constant 0 : i32
    %dma_wait3A_257 = tpu.memref_slice %arg15[%dma_wait3A_254, %dma_wait3A_255, %dma_wait3A_256] : memref<4x128x32xf32, #tpu.memory_space<vmem>> -> memref<1x128x32xf32, #tpu.memory_space<vmem>>
    %dma_wait3A_258 = tpu.memref_squeeze %dma_wait3A_257 : memref<1x128x32xf32, #tpu.memory_space<vmem>> -> memref<128x32xf32, #tpu.memory_space<vmem>>
    %dma_wait3A_259 = arith.constant 0 : i32
    %dma_wait3A_260 = tpu.memref_slice %arg12[%dma_wait3A_253, %dma_wait3A_259] : memref<4x128xi32, #tpu.memory_space<vmem>> -> memref<1x128xi32, #tpu.memory_space<vmem>>
    %dma_wait3A_261 = tpu.memref_squeeze %dma_wait3A_260 : memref<1x128xi32, #tpu.memory_space<vmem>> -> memref<128xi32, #tpu.memory_space<vmem>>
    %dma_wait3A_262 = arith.constant 0 : i32
    %dma_wait3A_263 = arith.constant 0 : i32
    %dma_wait3A_264 = tpu.memref_slice %arg3[%dma_wait3A_262, %dma_wait3A_263] : memref<100000x32xf32, #tpu.memory_space<hbm>> -> memref<100000x32xf32, #tpu.memory_space<hbm>>
    tpu.wait_indirect_dma semaphore(%arg18 : memref<!tpu.dma_semaphore, #tpu.memory_space<semaphore_mem>>) src(%dma_wait3A_264 : memref<100000x32xf32, #tpu.memory_space<hbm>>) dst(%dma_wait3A_258 : memref<128x32xf32, #tpu.memory_space<vmem>>)
    %dma_wait3A_265 = arith.constant 1 : i32
    %dma_wait3A_266 = arith.constant 1 : i32
    %dma_wait3A_267 = arith.constant 0 : i32
    %dma_wait3A_268 = arith.constant 0 : i32
    %dma_wait3A_269 = tpu.memref_slice %arg16[%dma_wait3A_266, %dma_wait3A_267, %dma_wait3A_268] : memref<4x128x32xf32, #tpu.memory_space<vmem>> -> memref<1x128x32xf32, #tpu.memory_space<vmem>>
    %dma_wait3A_270 = tpu.memref_squeeze %dma_wait3A_269 : memref<1x128x32xf32, #tpu.memory_space<vmem>> -> memref<128x32xf32, #tpu.memory_space<vmem>>
    %dma_wait3A_271 = arith.constant 0 : i32
    %dma_wait3A_272 = tpu.memref_slice %arg13[%dma_wait3A_265, %dma_wait3A_271] : memref<4x128xi32, #tpu.memory_space<vmem>> -> memref<1x128xi32, #tpu.memory_space<vmem>>
    %dma_wait3A_273 = tpu.memref_squeeze %dma_wait3A_272 : memref<1x128xi32, #tpu.memory_space<vmem>> -> memref<128xi32, #tpu.memory_space<vmem>>
    %dma_wait3A_274 = arith.constant 0 : i32
    %dma_wait3A_275 = arith.constant 0 : i32
    %dma_wait3A_276 = tpu.memref_slice %arg4[%dma_wait3A_274, %dma_wait3A_275] : memref<1000x32xf32, #tpu.memory_space<hbm>> -> memref<1000x32xf32, #tpu.memory_space<hbm>>
    tpu.wait_indirect_dma semaphore(%arg18 : memref<!tpu.dma_semaphore, #tpu.memory_space<semaphore_mem>>) src(%dma_wait3A_276 : memref<1000x32xf32, #tpu.memory_space<hbm>>) dst(%dma_wait3A_270 : memref<128x32xf32, #tpu.memory_space<vmem>>)
    %dma_wait3A_277 = arith.constant 1 : i32
    %dma_wait3A_278 = arith.constant 1 : i32
    %dma_wait3A_279 = arith.constant 0 : i32
    %dma_wait3A_280 = arith.constant 0 : i32
    %dma_wait3A_281 = tpu.memref_slice %arg17[%dma_wait3A_278, %dma_wait3A_279, %dma_wait3A_280] : memref<4x128x32xf32, #tpu.memory_space<vmem>> -> memref<1x128x32xf32, #tpu.memory_space<vmem>>
    %dma_wait3A_282 = tpu.memref_squeeze %dma_wait3A_281 : memref<1x128x32xf32, #tpu.memory_space<vmem>> -> memref<128x32xf32, #tpu.memory_space<vmem>>
    %dma_wait3A_283 = arith.constant 0 : i32
    %dma_wait3A_284 = tpu.memref_slice %arg13[%dma_wait3A_277, %dma_wait3A_283] : memref<4x128xi32, #tpu.memory_space<vmem>> -> memref<1x128xi32, #tpu.memory_space<vmem>>
    %dma_wait3A_285 = tpu.memref_squeeze %dma_wait3A_284 : memref<1x128xi32, #tpu.memory_space<vmem>> -> memref<128xi32, #tpu.memory_space<vmem>>
    %dma_wait3A_286 = arith.constant 0 : i32
    %dma_wait3A_287 = arith.constant 0 : i32
    %dma_wait3A_288 = tpu.memref_slice %arg5[%dma_wait3A_286, %dma_wait3A_287] : memref<1000x32xf32, #tpu.memory_space<hbm>> -> memref<1000x32xf32, #tpu.memory_space<hbm>>
    tpu.wait_indirect_dma semaphore(%arg18 : memref<!tpu.dma_semaphore, #tpu.memory_space<semaphore_mem>>) src(%dma_wait3A_288 : memref<1000x32xf32, #tpu.memory_space<hbm>>) dst(%dma_wait3A_282 : memref<128x32xf32, #tpu.memory_space<vmem>>)
    %dma_wait3A_289 = arith.constant 2 : i32
    %dma_wait3A_290 = arith.constant 2 : i32
    %dma_wait3A_291 = arith.constant 0 : i32
    %dma_wait3A_292 = arith.constant 0 : i32
    %dma_wait3A_293 = tpu.memref_slice %arg14[%dma_wait3A_290, %dma_wait3A_291, %dma_wait3A_292] : memref<4x128x32xf32, #tpu.memory_space<vmem>> -> memref<1x128x32xf32, #tpu.memory_space<vmem>>
    %dma_wait3A_294 = tpu.memref_squeeze %dma_wait3A_293 : memref<1x128x32xf32, #tpu.memory_space<vmem>> -> memref<128x32xf32, #tpu.memory_space<vmem>>
    %dma_wait3A_295 = arith.constant 0 : i32
    %dma_wait3A_296 = tpu.memref_slice %arg12[%dma_wait3A_289, %dma_wait3A_295] : memref<4x128xi32, #tpu.memory_space<vmem>> -> memref<1x128xi32, #tpu.memory_space<vmem>>
    %dma_wait3A_297 = tpu.memref_squeeze %dma_wait3A_296 : memref<1x128xi32, #tpu.memory_space<vmem>> -> memref<128xi32, #tpu.memory_space<vmem>>
    %dma_wait3A_298 = arith.constant 0 : i32
    %dma_wait3A_299 = arith.constant 0 : i32
    %dma_wait3A_300 = tpu.memref_slice %arg2[%dma_wait3A_298, %dma_wait3A_299] : memref<100000x32xf32, #tpu.memory_space<hbm>> -> memref<100000x32xf32, #tpu.memory_space<hbm>>
    tpu.wait_indirect_dma semaphore(%arg18 : memref<!tpu.dma_semaphore, #tpu.memory_space<semaphore_mem>>) src(%dma_wait3A_300 : memref<100000x32xf32, #tpu.memory_space<hbm>>) dst(%dma_wait3A_294 : memref<128x32xf32, #tpu.memory_space<vmem>>)
    %dma_wait3A_301 = arith.constant 2 : i32
    %dma_wait3A_302 = arith.constant 2 : i32
    %dma_wait3A_303 = arith.constant 0 : i32
    %dma_wait3A_304 = arith.constant 0 : i32
    %dma_wait3A_305 = tpu.memref_slice %arg15[%dma_wait3A_302, %dma_wait3A_303, %dma_wait3A_304] : memref<4x128x32xf32, #tpu.memory_space<vmem>> -> memref<1x128x32xf32, #tpu.memory_space<vmem>>
    %dma_wait3A_306 = tpu.memref_squeeze %dma_wait3A_305 : memref<1x128x32xf32, #tpu.memory_space<vmem>> -> memref<128x32xf32, #tpu.memory_space<vmem>>
    %dma_wait3A_307 = arith.constant 0 : i32
    %dma_wait3A_308 = tpu.memref_slice %arg12[%dma_wait3A_301, %dma_wait3A_307] : memref<4x128xi32, #tpu.memory_space<vmem>> -> memref<1x128xi32, #tpu.memory_space<vmem>>
    %dma_wait3A_309 = tpu.memref_squeeze %dma_wait3A_308 : memref<1x128xi32, #tpu.memory_space<vmem>> -> memref<128xi32, #tpu.memory_space<vmem>>
    %dma_wait3A_310 = arith.constant 0 : i32
    %dma_wait3A_311 = arith.constant 0 : i32
    %dma_wait3A_312 = tpu.memref_slice %arg3[%dma_wait3A_310, %dma_wait3A_311] : memref<100000x32xf32, #tpu.memory_space<hbm>> -> memref<100000x32xf32, #tpu.memory_space<hbm>>
    tpu.wait_indirect_dma semaphore(%arg18 : memref<!tpu.dma_semaphore, #tpu.memory_space<semaphore_mem>>) src(%dma_wait3A_312 : memref<100000x32xf32, #tpu.memory_space<hbm>>) dst(%dma_wait3A_306 : memref<128x32xf32, #tpu.memory_space<vmem>>)
    %dma_wait3A_313 = arith.constant 2 : i32
    %dma_wait3A_314 = arith.constant 2 : i32
    %dma_wait3A_315 = arith.constant 0 : i32
    %dma_wait3A_316 = arith.constant 0 : i32
    %dma_wait3A_317 = tpu.memref_slice %arg16[%dma_wait3A_314, %dma_wait3A_315, %dma_wait3A_316] : memref<4x128x32xf32, #tpu.memory_space<vmem>> -> memref<1x128x32xf32, #tpu.memory_space<vmem>>
    %dma_wait3A_318 = tpu.memref_squeeze %dma_wait3A_317 : memref<1x128x32xf32, #tpu.memory_space<vmem>> -> memref<128x32xf32, #tpu.memory_space<vmem>>
    %dma_wait3A_319 = arith.constant 0 : i32
    %dma_wait3A_320 = tpu.memref_slice %arg13[%dma_wait3A_313, %dma_wait3A_319] : memref<4x128xi32, #tpu.memory_space<vmem>> -> memref<1x128xi32, #tpu.memory_space<vmem>>
    %dma_wait3A_321 = tpu.memref_squeeze %dma_wait3A_320 : memref<1x128xi32, #tpu.memory_space<vmem>> -> memref<128xi32, #tpu.memory_space<vmem>>
    %dma_wait3A_322 = arith.constant 0 : i32
    %dma_wait3A_323 = arith.constant 0 : i32
    %dma_wait3A_324 = tpu.memref_slice %arg4[%dma_wait3A_322, %dma_wait3A_323] : memref<1000x32xf32, #tpu.memory_space<hbm>> -> memref<1000x32xf32, #tpu.memory_space<hbm>>
    tpu.wait_indirect_dma semaphore(%arg18 : memref<!tpu.dma_semaphore, #tpu.memory_space<semaphore_mem>>) src(%dma_wait3A_324 : memref<1000x32xf32, #tpu.memory_space<hbm>>) dst(%dma_wait3A_318 : memref<128x32xf32, #tpu.memory_space<vmem>>)
    %dma_wait3A_325 = arith.constant 2 : i32
    %dma_wait3A_326 = arith.constant 2 : i32
    %dma_wait3A_327 = arith.constant 0 : i32
    %dma_wait3A_328 = arith.constant 0 : i32
    %dma_wait3A_329 = tpu.memref_slice %arg17[%dma_wait3A_326, %dma_wait3A_327, %dma_wait3A_328] : memref<4x128x32xf32, #tpu.memory_space<vmem>> -> memref<1x128x32xf32, #tpu.memory_space<vmem>>
    %dma_wait3A_330 = tpu.memref_squeeze %dma_wait3A_329 : memref<1x128x32xf32, #tpu.memory_space<vmem>> -> memref<128x32xf32, #tpu.memory_space<vmem>>
    %dma_wait3A_331 = arith.constant 0 : i32
    %dma_wait3A_332 = tpu.memref_slice %arg13[%dma_wait3A_325, %dma_wait3A_331] : memref<4x128xi32, #tpu.memory_space<vmem>> -> memref<1x128xi32, #tpu.memory_space<vmem>>
    %dma_wait3A_333 = tpu.memref_squeeze %dma_wait3A_332 : memref<1x128xi32, #tpu.memory_space<vmem>> -> memref<128xi32, #tpu.memory_space<vmem>>
    %dma_wait3A_334 = arith.constant 0 : i32
    %dma_wait3A_335 = arith.constant 0 : i32
    %dma_wait3A_336 = tpu.memref_slice %arg5[%dma_wait3A_334, %dma_wait3A_335] : memref<1000x32xf32, #tpu.memory_space<hbm>> -> memref<1000x32xf32, #tpu.memory_space<hbm>>
    tpu.wait_indirect_dma semaphore(%arg18 : memref<!tpu.dma_semaphore, #tpu.memory_space<semaphore_mem>>) src(%dma_wait3A_336 : memref<1000x32xf32, #tpu.memory_space<hbm>>) dst(%dma_wait3A_330 : memref<128x32xf32, #tpu.memory_space<vmem>>)
    %dma_wait3A_337 = arith.constant 3 : i32
    %dma_wait3A_338 = arith.constant 3 : i32
    %dma_wait3A_339 = arith.constant 0 : i32
    %dma_wait3A_340 = arith.constant 0 : i32
    %dma_wait3A_341 = tpu.memref_slice %arg14[%dma_wait3A_338, %dma_wait3A_339, %dma_wait3A_340] : memref<4x128x32xf32, #tpu.memory_space<vmem>> -> memref<1x128x32xf32, #tpu.memory_space<vmem>>
    %dma_wait3A_342 = tpu.memref_squeeze %dma_wait3A_341 : memref<1x128x32xf32, #tpu.memory_space<vmem>> -> memref<128x32xf32, #tpu.memory_space<vmem>>
    %dma_wait3A_343 = arith.constant 0 : i32
    %dma_wait3A_344 = tpu.memref_slice %arg12[%dma_wait3A_337, %dma_wait3A_343] : memref<4x128xi32, #tpu.memory_space<vmem>> -> memref<1x128xi32, #tpu.memory_space<vmem>>
    %dma_wait3A_345 = tpu.memref_squeeze %dma_wait3A_344 : memref<1x128xi32, #tpu.memory_space<vmem>> -> memref<128xi32, #tpu.memory_space<vmem>>
    %dma_wait3A_346 = arith.constant 0 : i32
    %dma_wait3A_347 = arith.constant 0 : i32
    %dma_wait3A_348 = tpu.memref_slice %arg2[%dma_wait3A_346, %dma_wait3A_347] : memref<100000x32xf32, #tpu.memory_space<hbm>> -> memref<100000x32xf32, #tpu.memory_space<hbm>>
    tpu.wait_indirect_dma semaphore(%arg18 : memref<!tpu.dma_semaphore, #tpu.memory_space<semaphore_mem>>) src(%dma_wait3A_348 : memref<100000x32xf32, #tpu.memory_space<hbm>>) dst(%dma_wait3A_342 : memref<128x32xf32, #tpu.memory_space<vmem>>)
    %dma_wait3A_349 = arith.constant 3 : i32
    %dma_wait3A_350 = arith.constant 3 : i32
    %dma_wait3A_351 = arith.constant 0 : i32
    %dma_wait3A_352 = arith.constant 0 : i32
    %dma_wait3A_353 = tpu.memref_slice %arg15[%dma_wait3A_350, %dma_wait3A_351, %dma_wait3A_352] : memref<4x128x32xf32, #tpu.memory_space<vmem>> -> memref<1x128x32xf32, #tpu.memory_space<vmem>>
    %dma_wait3A_354 = tpu.memref_squeeze %dma_wait3A_353 : memref<1x128x32xf32, #tpu.memory_space<vmem>> -> memref<128x32xf32, #tpu.memory_space<vmem>>
    %dma_wait3A_355 = arith.constant 0 : i32
    %dma_wait3A_356 = tpu.memref_slice %arg12[%dma_wait3A_349, %dma_wait3A_355] : memref<4x128xi32, #tpu.memory_space<vmem>> -> memref<1x128xi32, #tpu.memory_space<vmem>>
    %dma_wait3A_357 = tpu.memref_squeeze %dma_wait3A_356 : memref<1x128xi32, #tpu.memory_space<vmem>> -> memref<128xi32, #tpu.memory_space<vmem>>
    %dma_wait3A_358 = arith.constant 0 : i32
    %dma_wait3A_359 = arith.constant 0 : i32
    %dma_wait3A_360 = tpu.memref_slice %arg3[%dma_wait3A_358, %dma_wait3A_359] : memref<100000x32xf32, #tpu.memory_space<hbm>> -> memref<100000x32xf32, #tpu.memory_space<hbm>>
    tpu.wait_indirect_dma semaphore(%arg18 : memref<!tpu.dma_semaphore, #tpu.memory_space<semaphore_mem>>) src(%dma_wait3A_360 : memref<100000x32xf32, #tpu.memory_space<hbm>>) dst(%dma_wait3A_354 : memref<128x32xf32, #tpu.memory_space<vmem>>)
    %dma_wait3A_361 = arith.constant 3 : i32
    %dma_wait3A_362 = arith.constant 3 : i32
    %dma_wait3A_363 = arith.constant 0 : i32
    %dma_wait3A_364 = arith.constant 0 : i32
    %dma_wait3A_365 = tpu.memref_slice %arg16[%dma_wait3A_362, %dma_wait3A_363, %dma_wait3A_364] : memref<4x128x32xf32, #tpu.memory_space<vmem>> -> memref<1x128x32xf32, #tpu.memory_space<vmem>>
    %dma_wait3A_366 = tpu.memref_squeeze %dma_wait3A_365 : memref<1x128x32xf32, #tpu.memory_space<vmem>> -> memref<128x32xf32, #tpu.memory_space<vmem>>
    %dma_wait3A_367 = arith.constant 0 : i32
    %dma_wait3A_368 = tpu.memref_slice %arg13[%dma_wait3A_361, %dma_wait3A_367] : memref<4x128xi32, #tpu.memory_space<vmem>> -> memref<1x128xi32, #tpu.memory_space<vmem>>
    %dma_wait3A_369 = tpu.memref_squeeze %dma_wait3A_368 : memref<1x128xi32, #tpu.memory_space<vmem>> -> memref<128xi32, #tpu.memory_space<vmem>>
    %dma_wait3A_370 = arith.constant 0 : i32
    %dma_wait3A_371 = arith.constant 0 : i32
    %dma_wait3A_372 = tpu.memref_slice %arg4[%dma_wait3A_370, %dma_wait3A_371] : memref<1000x32xf32, #tpu.memory_space<hbm>> -> memref<1000x32xf32, #tpu.memory_space<hbm>>
    tpu.wait_indirect_dma semaphore(%arg18 : memref<!tpu.dma_semaphore, #tpu.memory_space<semaphore_mem>>) src(%dma_wait3A_372 : memref<1000x32xf32, #tpu.memory_space<hbm>>) dst(%dma_wait3A_366 : memref<128x32xf32, #tpu.memory_space<vmem>>)
    %dma_wait3A_373 = arith.constant 3 : i32
    %dma_wait3A_374 = arith.constant 3 : i32
    %dma_wait3A_375 = arith.constant 0 : i32
    %dma_wait3A_376 = arith.constant 0 : i32
    %dma_wait3A_377 = tpu.memref_slice %arg17[%dma_wait3A_374, %dma_wait3A_375, %dma_wait3A_376] : memref<4x128x32xf32, #tpu.memory_space<vmem>> -> memref<1x128x32xf32, #tpu.memory_space<vmem>>
    %dma_wait3A_378 = tpu.memref_squeeze %dma_wait3A_377 : memref<1x128x32xf32, #tpu.memory_space<vmem>> -> memref<128x32xf32, #tpu.memory_space<vmem>>
    %dma_wait3A_379 = arith.constant 0 : i32
    %dma_wait3A_380 = tpu.memref_slice %arg13[%dma_wait3A_373, %dma_wait3A_379] : memref<4x128xi32, #tpu.memory_space<vmem>> -> memref<1x128xi32, #tpu.memory_space<vmem>>
    %dma_wait3A_381 = tpu.memref_squeeze %dma_wait3A_380 : memref<1x128xi32, #tpu.memory_space<vmem>> -> memref<128xi32, #tpu.memory_space<vmem>>
    %dma_wait3A_382 = arith.constant 0 : i32
    %dma_wait3A_383 = arith.constant 0 : i32
    %dma_wait3A_384 = tpu.memref_slice %arg5[%dma_wait3A_382, %dma_wait3A_383] : memref<1000x32xf32, #tpu.memory_space<hbm>> -> memref<1000x32xf32, #tpu.memory_space<hbm>>
    tpu.wait_indirect_dma semaphore(%arg18 : memref<!tpu.dma_semaphore, #tpu.memory_space<semaphore_mem>>) src(%dma_wait3A_384 : memref<1000x32xf32, #tpu.memory_space<hbm>>) dst(%dma_wait3A_378 : memref<128x32xf32, #tpu.memory_space<vmem>>)
    "tpu.region"() ({
      %run_scoped3A = tpu.sem_alloc : memref<!tpu.dma_semaphore, #tpu.memory_space<semaphore_mem>>
      %dma_start3A_385 = arith.constant 0 : i32
      %dma_start3A_386 = arith.constant 0 : i32
      %dma_start3A_387 = tpu.memref_slice %arg8[%mul3A_2, %dma_start3A_385, %dma_start3A_386] : memref<128x128x32xf32, #tpu.memory_space<hbm>> -> memref<4x128x32xf32, #tpu.memory_space<hbm>>
      %dma_start3A_388 = arith.constant 0 : i32
      %dma_start3A_389 = arith.constant 0 : i32
      %dma_start3A_390 = tpu.memref_slice %arg8[%mul3A_2, %dma_start3A_388, %dma_start3A_389] : memref<128x128x32xf32, #tpu.memory_space<hbm>> -> memref<4x128x32xf32, #tpu.memory_space<hbm>>
      tpu.enqueue_dma source(%arg14 : memref<4x128x32xf32, #tpu.memory_space<vmem>>) target(%dma_start3A_390 : memref<4x128x32xf32, #tpu.memory_space<hbm>>) target_semaphore(%run_scoped3A : memref<!tpu.dma_semaphore, #tpu.memory_space<semaphore_mem>>)
      %dma_wait3A_391 = arith.constant 0 : i32
      %dma_wait3A_392 = arith.constant 0 : i32
      %dma_wait3A_393 = tpu.memref_slice %arg8[%mul3A_2, %dma_wait3A_391, %dma_wait3A_392] : memref<128x128x32xf32, #tpu.memory_space<hbm>> -> memref<4x128x32xf32, #tpu.memory_space<hbm>>
      %dma_wait3A_394 = arith.constant 0 : i32
      %dma_wait3A_395 = arith.constant 0 : i32
      %dma_wait3A_396 = tpu.memref_slice %arg8[%mul3A_2, %dma_wait3A_394, %dma_wait3A_395] : memref<128x128x32xf32, #tpu.memory_space<hbm>> -> memref<4x128x32xf32, #tpu.memory_space<hbm>>
      tpu.wait_dma2 semaphore(%run_scoped3A : memref<!tpu.dma_semaphore, #tpu.memory_space<semaphore_mem>>) src(%arg14 : memref<4x128x32xf32, #tpu.memory_space<vmem>>) dst(%dma_wait3A_396 : memref<4x128x32xf32, #tpu.memory_space<hbm>>)
      tpu.yield
    }) : () -> ()
    "tpu.region"() ({
      %run_scoped3A = tpu.sem_alloc : memref<!tpu.dma_semaphore, #tpu.memory_space<semaphore_mem>>
      %dma_start3A_385 = arith.constant 0 : i32
      %dma_start3A_386 = arith.constant 0 : i32
      %dma_start3A_387 = tpu.memref_slice %arg9[%mul3A_2, %dma_start3A_385, %dma_start3A_386] : memref<128x128x32xf32, #tpu.memory_space<hbm>> -> memref<4x128x32xf32, #tpu.memory_space<hbm>>
      %dma_start3A_388 = arith.constant 0 : i32
      %dma_start3A_389 = arith.constant 0 : i32
      %dma_start3A_390 = tpu.memref_slice %arg9[%mul3A_2, %dma_start3A_388, %dma_start3A_389] : memref<128x128x32xf32, #tpu.memory_space<hbm>> -> memref<4x128x32xf32, #tpu.memory_space<hbm>>
      tpu.enqueue_dma source(%arg15 : memref<4x128x32xf32, #tpu.memory_space<vmem>>) target(%dma_start3A_390 : memref<4x128x32xf32, #tpu.memory_space<hbm>>) target_semaphore(%run_scoped3A : memref<!tpu.dma_semaphore, #tpu.memory_space<semaphore_mem>>)
      %dma_wait3A_391 = arith.constant 0 : i32
      %dma_wait3A_392 = arith.constant 0 : i32
      %dma_wait3A_393 = tpu.memref_slice %arg9[%mul3A_2, %dma_wait3A_391, %dma_wait3A_392] : memref<128x128x32xf32, #tpu.memory_space<hbm>> -> memref<4x128x32xf32, #tpu.memory_space<hbm>>
      %dma_wait3A_394 = arith.constant 0 : i32
      %dma_wait3A_395 = arith.constant 0 : i32
      %dma_wait3A_396 = tpu.memref_slice %arg9[%mul3A_2, %dma_wait3A_394, %dma_wait3A_395] : memref<128x128x32xf32, #tpu.memory_space<hbm>> -> memref<4x128x32xf32, #tpu.memory_space<hbm>>
      tpu.wait_dma2 semaphore(%run_scoped3A : memref<!tpu.dma_semaphore, #tpu.memory_space<semaphore_mem>>) src(%arg15 : memref<4x128x32xf32, #tpu.memory_space<vmem>>) dst(%dma_wait3A_396 : memref<4x128x32xf32, #tpu.memory_space<hbm>>)
      tpu.yield
    }) : () -> ()
    "tpu.region"() ({
      %run_scoped3A = tpu.sem_alloc : memref<!tpu.dma_semaphore, #tpu.memory_space<semaphore_mem>>
      %dma_start3A_385 = arith.constant 0 : i32
      %dma_start3A_386 = arith.constant 0 : i32
      %dma_start3A_387 = tpu.memref_slice %arg10[%mul3A_2, %dma_start3A_385, %dma_start3A_386] : memref<128x128x32xf32, #tpu.memory_space<hbm>> -> memref<4x128x32xf32, #tpu.memory_space<hbm>>
      %dma_start3A_388 = arith.constant 0 : i32
      %dma_start3A_389 = arith.constant 0 : i32
      %dma_start3A_390 = tpu.memref_slice %arg10[%mul3A_2, %dma_start3A_388, %dma_start3A_389] : memref<128x128x32xf32, #tpu.memory_space<hbm>> -> memref<4x128x32xf32, #tpu.memory_space<hbm>>
      tpu.enqueue_dma source(%arg16 : memref<4x128x32xf32, #tpu.memory_space<vmem>>) target(%dma_start3A_390 : memref<4x128x32xf32, #tpu.memory_space<hbm>>) target_semaphore(%run_scoped3A : memref<!tpu.dma_semaphore, #tpu.memory_space<semaphore_mem>>)
      %dma_wait3A_391 = arith.constant 0 : i32
      %dma_wait3A_392 = arith.constant 0 : i32
      %dma_wait3A_393 = tpu.memref_slice %arg10[%mul3A_2, %dma_wait3A_391, %dma_wait3A_392] : memref<128x128x32xf32, #tpu.memory_space<hbm>> -> memref<4x128x32xf32, #tpu.memory_space<hbm>>
      %dma_wait3A_394 = arith.constant 0 : i32
      %dma_wait3A_395 = arith.constant 0 : i32
      %dma_wait3A_396 = tpu.memref_slice %arg10[%mul3A_2, %dma_wait3A_394, %dma_wait3A_395] : memref<128x128x32xf32, #tpu.memory_space<hbm>> -> memref<4x128x32xf32, #tpu.memory_space<hbm>>
      tpu.wait_dma2 semaphore(%run_scoped3A : memref<!tpu.dma_semaphore, #tpu.memory_space<semaphore_mem>>) src(%arg16 : memref<4x128x32xf32, #tpu.memory_space<vmem>>) dst(%dma_wait3A_396 : memref<4x128x32xf32, #tpu.memory_space<hbm>>)
      tpu.yield
    }) : () -> ()
    "tpu.region"() ({
      %run_scoped3A = tpu.sem_alloc : memref<!tpu.dma_semaphore, #tpu.memory_space<semaphore_mem>>
      %dma_start3A_385 = arith.constant 0 : i32
      %dma_start3A_386 = arith.constant 0 : i32
      %dma_start3A_387 = tpu.memref_slice %arg11[%mul3A_2, %dma_start3A_385, %dma_start3A_386] : memref<128x128x32xf32, #tpu.memory_space<hbm>> -> memref<4x128x32xf32, #tpu.memory_space<hbm>>
      %dma_start3A_388 = arith.constant 0 : i32
      %dma_start3A_389 = arith.constant 0 : i32
      %dma_start3A_390 = tpu.memref_slice %arg11[%mul3A_2, %dma_start3A_388, %dma_start3A_389] : memref<128x128x32xf32, #tpu.memory_space<hbm>> -> memref<4x128x32xf32, #tpu.memory_space<hbm>>
      tpu.enqueue_dma source(%arg17 : memref<4x128x32xf32, #tpu.memory_space<vmem>>) target(%dma_start3A_390 : memref<4x128x32xf32, #tpu.memory_space<hbm>>) target_semaphore(%run_scoped3A : memref<!tpu.dma_semaphore, #tpu.memory_space<semaphore_mem>>)
      %dma_wait3A_391 = arith.constant 0 : i32
      %dma_wait3A_392 = arith.constant 0 : i32
      %dma_wait3A_393 = tpu.memref_slice %arg11[%mul3A_2, %dma_wait3A_391, %dma_wait3A_392] : memref<128x128x32xf32, #tpu.memory_space<hbm>> -> memref<4x128x32xf32, #tpu.memory_space<hbm>>
      %dma_wait3A_394 = arith.constant 0 : i32
      %dma_wait3A_395 = arith.constant 0 : i32
      %dma_wait3A_396 = tpu.memref_slice %arg11[%mul3A_2, %dma_wait3A_394, %dma_wait3A_395] : memref<128x128x32xf32, #tpu.memory_space<hbm>> -> memref<4x128x32xf32, #tpu.memory_space<hbm>>
      tpu.wait_dma2 semaphore(%run_scoped3A : memref<!tpu.dma_semaphore, #tpu.memory_space<semaphore_mem>>) src(%arg17 : memref<4x128x32xf32, #tpu.memory_space<vmem>>) dst(%dma_wait3A_396 : memref<4x128x32xf32, #tpu.memory_space<hbm>>)
      tpu.yield
    }) : () -> ()
    return
  }
}

module attributes {stable_mosaic.version = 14 : i64} {
  func.func @_rng_fma_body(%arg0: i32, %arg1: memref<2xi32, #tpu.memory_space<smem>>, %arg2: memref<32x2048xf32, #tpu.memory_space<vmem>>, %arg3: memref<32x2048xf32, #tpu.memory_space<vmem>>, %arg4: memref<16x32x2048xf32, #tpu.memory_space<vmem>>) attributes {dimension_semantics = [#tpu.dimension_semantics<arbitrary>], iteration_bounds = array<i64: 8>, scalar_prefetch = 0 : i64, scratch_operands = 0 : i64, tpu.core_type = #tpu.core_type<tc>, window_params = [{transform_indices = @transform_0, window_bounds = array<i64: 2>}, {transform_indices = @transform_1, window_bounds = array<i64: 32, 2048>}, {transform_indices = @transform_2, window_bounds = array<i64: 32, 2048>}, {transform_indices = @transform_3, window_bounds = array<i64: 16, 32, 2048>}]} {
    %mul3A = arith.constant 2048 : i32
    %mul3A_0 = arith.muli %arg0, %mul3A : i32
    %iota3A = tpu.iota {dimensions = array<i32: 0>} : vector<16x32x2048xi32>
    %iota3A_1 = tpu.iota {dimensions = array<i32: 1>} : vector<16x32x2048xi32>
    %iota3A_2 = tpu.iota {dimensions = array<i32: 2>} : vector<16x32x2048xi32>
    %add3A = vector.broadcast %mul3A_0 : i32 to vector<16x32x2048xi32>
    %add3A_3 = arith.addi %iota3A_2, %add3A : vector<16x32x2048xi32>
    %shift_left3A = arith.constant 19 : i32
    %shift_left3A_4 = vector.broadcast %shift_left3A : i32 to vector<16x32x2048xi32>
    %shift_left3A_5 = arith.shli %iota3A, %shift_left3A_4 : vector<16x32x2048xi32>
    %shift_left3A_6 = arith.constant 5 : i32
    %shift_left3A_7 = vector.broadcast %shift_left3A_6 : i32 to vector<16x32x2048xi32>
    %shift_left3A_8 = arith.shli %add3A_3, %shift_left3A_7 : vector<16x32x2048xi32>
    %or3A = arith.ori %shift_left3A_5, %shift_left3A_8 : vector<16x32x2048xi32>
    %or3A_9 = arith.ori %or3A, %iota3A_1 : vector<16x32x2048xi32>
    %get3A = arith.constant 0 : index
    %get3A_10 = memref.load %arg1[%get3A] : memref<2xi32, #tpu.memory_space<smem>>
    %get3A_11 = arith.constant 1 : index
    %get3A_12 = memref.load %arg1[%get3A_11] : memref<2xi32, #tpu.memory_space<smem>>
    %xor3A = arith.constant 466688986 : i32
    %xor3A_13 = arith.xori %xor3A, %get3A_10 : i32
    %xor3A_14 = arith.xori %xor3A_13, %get3A_12 : i32
    %broadcast_in_dim3A = arith.constant 0 : i32
    %broadcast_in_dim3A_15 = vector.broadcast %broadcast_in_dim3A : i32 to vector<16x32x2048xi32>
    %add3A_16 = vector.broadcast %get3A_10 : i32 to vector<16x32x2048xi32>
    %add3A_17 = arith.addi %broadcast_in_dim3A_15, %add3A_16 : vector<16x32x2048xi32>
    %add3A_18 = vector.broadcast %get3A_12 : i32 to vector<16x32x2048xi32>
    %add3A_19 = arith.addi %or3A_9, %add3A_18 : vector<16x32x2048xi32>
    %add3A_20 = arith.addi %add3A_17, %add3A_19 : vector<16x32x2048xi32>
    %shift_left3A_21 = arith.constant 13 : i32
    %shift_left3A_22 = vector.broadcast %shift_left3A_21 : i32 to vector<16x32x2048xi32>
    %shift_left3A_23 = arith.shli %add3A_19, %shift_left3A_22 : vector<16x32x2048xi32>
    %shift_right_logical3A = arith.constant 19 : i32
    %shift_right_logical3A_24 = vector.broadcast %shift_right_logical3A : i32 to vector<16x32x2048xi32>
    %shift_right_logical3A_25 = arith.shrui %add3A_19, %shift_right_logical3A_24 : vector<16x32x2048xi32>
    %or3A_26 = arith.ori %shift_left3A_23, %shift_right_logical3A_25 : vector<16x32x2048xi32>
    %xor3A_27 = arith.xori %or3A_26, %add3A_20 : vector<16x32x2048xi32>
    %add3A_28 = arith.addi %add3A_20, %xor3A_27 : vector<16x32x2048xi32>
    %shift_left3A_29 = arith.constant 15 : i32
    %shift_left3A_30 = vector.broadcast %shift_left3A_29 : i32 to vector<16x32x2048xi32>
    %shift_left3A_31 = arith.shli %xor3A_27, %shift_left3A_30 : vector<16x32x2048xi32>
    %shift_right_logical3A_32 = arith.constant 17 : i32
    %shift_right_logical3A_33 = vector.broadcast %shift_right_logical3A_32 : i32 to vector<16x32x2048xi32>
    %shift_right_logical3A_34 = arith.shrui %xor3A_27, %shift_right_logical3A_33 : vector<16x32x2048xi32>
    %or3A_35 = arith.ori %shift_left3A_31, %shift_right_logical3A_34 : vector<16x32x2048xi32>
    %xor3A_36 = arith.xori %or3A_35, %add3A_28 : vector<16x32x2048xi32>
    %add3A_37 = arith.addi %add3A_28, %xor3A_36 : vector<16x32x2048xi32>
    %shift_left3A_38 = arith.constant 26 : i32
    %shift_left3A_39 = vector.broadcast %shift_left3A_38 : i32 to vector<16x32x2048xi32>
    %shift_left3A_40 = arith.shli %xor3A_36, %shift_left3A_39 : vector<16x32x2048xi32>
    %shift_right_logical3A_41 = arith.constant 6 : i32
    %shift_right_logical3A_42 = vector.broadcast %shift_right_logical3A_41 : i32 to vector<16x32x2048xi32>
    %shift_right_logical3A_43 = arith.shrui %xor3A_36, %shift_right_logical3A_42 : vector<16x32x2048xi32>
    %or3A_44 = arith.ori %shift_left3A_40, %shift_right_logical3A_43 : vector<16x32x2048xi32>
    %xor3A_45 = arith.xori %or3A_44, %add3A_37 : vector<16x32x2048xi32>
    %add3A_46 = arith.addi %add3A_37, %xor3A_45 : vector<16x32x2048xi32>
    %shift_left3A_47 = arith.constant 6 : i32
    %shift_left3A_48 = vector.broadcast %shift_left3A_47 : i32 to vector<16x32x2048xi32>
    %shift_left3A_49 = arith.shli %xor3A_45, %shift_left3A_48 : vector<16x32x2048xi32>
    %shift_right_logical3A_50 = arith.constant 26 : i32
    %shift_right_logical3A_51 = vector.broadcast %shift_right_logical3A_50 : i32 to vector<16x32x2048xi32>
    %shift_right_logical3A_52 = arith.shrui %xor3A_45, %shift_right_logical3A_51 : vector<16x32x2048xi32>
    %or3A_53 = arith.ori %shift_left3A_49, %shift_right_logical3A_52 : vector<16x32x2048xi32>
    %xor3A_54 = arith.xori %or3A_53, %add3A_46 : vector<16x32x2048xi32>
    %add3A_55 = vector.broadcast %get3A_12 : i32 to vector<16x32x2048xi32>
    %add3A_56 = arith.addi %add3A_46, %add3A_55 : vector<16x32x2048xi32>
    %add3A_57 = vector.broadcast %xor3A_14 : i32 to vector<16x32x2048xi32>
    %add3A_58 = arith.addi %xor3A_54, %add3A_57 : vector<16x32x2048xi32>
    %add3A_59 = arith.constant 1 : i32
    %add3A_60 = vector.broadcast %add3A_59 : i32 to vector<16x32x2048xi32>
    %add3A_61 = arith.addi %add3A_58, %add3A_60 : vector<16x32x2048xi32>
    %add3A_62 = arith.addi %add3A_56, %add3A_61 : vector<16x32x2048xi32>
    %shift_left3A_63 = arith.constant 17 : i32
    %shift_left3A_64 = vector.broadcast %shift_left3A_63 : i32 to vector<16x32x2048xi32>
    %shift_left3A_65 = arith.shli %add3A_61, %shift_left3A_64 : vector<16x32x2048xi32>
    %shift_right_logical3A_66 = arith.constant 15 : i32
    %shift_right_logical3A_67 = vector.broadcast %shift_right_logical3A_66 : i32 to vector<16x32x2048xi32>
    %shift_right_logical3A_68 = arith.shrui %add3A_61, %shift_right_logical3A_67 : vector<16x32x2048xi32>
    %or3A_69 = arith.ori %shift_left3A_65, %shift_right_logical3A_68 : vector<16x32x2048xi32>
    %xor3A_70 = arith.xori %or3A_69, %add3A_62 : vector<16x32x2048xi32>
    %add3A_71 = arith.addi %add3A_62, %xor3A_70 : vector<16x32x2048xi32>
    %shift_left3A_72 = arith.constant 29 : i32
    %shift_left3A_73 = vector.broadcast %shift_left3A_72 : i32 to vector<16x32x2048xi32>
    %shift_left3A_74 = arith.shli %xor3A_70, %shift_left3A_73 : vector<16x32x2048xi32>
    %shift_right_logical3A_75 = arith.constant 3 : i32
    %shift_right_logical3A_76 = vector.broadcast %shift_right_logical3A_75 : i32 to vector<16x32x2048xi32>
    %shift_right_logical3A_77 = arith.shrui %xor3A_70, %shift_right_logical3A_76 : vector<16x32x2048xi32>
    %or3A_78 = arith.ori %shift_left3A_74, %shift_right_logical3A_77 : vector<16x32x2048xi32>
    %xor3A_79 = arith.xori %or3A_78, %add3A_71 : vector<16x32x2048xi32>
    %add3A_80 = arith.addi %add3A_71, %xor3A_79 : vector<16x32x2048xi32>
    %shift_left3A_81 = arith.constant 16 : i32
    %shift_left3A_82 = vector.broadcast %shift_left3A_81 : i32 to vector<16x32x2048xi32>
    %shift_left3A_83 = arith.shli %xor3A_79, %shift_left3A_82 : vector<16x32x2048xi32>
    %shift_right_logical3A_84 = arith.constant 16 : i32
    %shift_right_logical3A_85 = vector.broadcast %shift_right_logical3A_84 : i32 to vector<16x32x2048xi32>
    %shift_right_logical3A_86 = arith.shrui %xor3A_79, %shift_right_logical3A_85 : vector<16x32x2048xi32>
    %or3A_87 = arith.ori %shift_left3A_83, %shift_right_logical3A_86 : vector<16x32x2048xi32>
    %xor3A_88 = arith.xori %or3A_87, %add3A_80 : vector<16x32x2048xi32>
    %add3A_89 = arith.addi %add3A_80, %xor3A_88 : vector<16x32x2048xi32>
    %shift_left3A_90 = arith.constant 24 : i32
    %shift_left3A_91 = vector.broadcast %shift_left3A_90 : i32 to vector<16x32x2048xi32>
    %shift_left3A_92 = arith.shli %xor3A_88, %shift_left3A_91 : vector<16x32x2048xi32>
    %shift_right_logical3A_93 = arith.constant 8 : i32
    %shift_right_logical3A_94 = vector.broadcast %shift_right_logical3A_93 : i32 to vector<16x32x2048xi32>
    %shift_right_logical3A_95 = arith.shrui %xor3A_88, %shift_right_logical3A_94 : vector<16x32x2048xi32>
    %or3A_96 = arith.ori %shift_left3A_92, %shift_right_logical3A_95 : vector<16x32x2048xi32>
    %xor3A_97 = arith.xori %or3A_96, %add3A_89 : vector<16x32x2048xi32>
    %add3A_98 = vector.broadcast %xor3A_14 : i32 to vector<16x32x2048xi32>
    %add3A_99 = arith.addi %add3A_89, %add3A_98 : vector<16x32x2048xi32>
    %add3A_100 = vector.broadcast %get3A_10 : i32 to vector<16x32x2048xi32>
    %add3A_101 = arith.addi %xor3A_97, %add3A_100 : vector<16x32x2048xi32>
    %add3A_102 = arith.constant 2 : i32
    %add3A_103 = vector.broadcast %add3A_102 : i32 to vector<16x32x2048xi32>
    %add3A_104 = arith.addi %add3A_101, %add3A_103 : vector<16x32x2048xi32>
    %add3A_105 = arith.addi %add3A_99, %add3A_104 : vector<16x32x2048xi32>
    %shift_left3A_106 = arith.constant 13 : i32
    %shift_left3A_107 = vector.broadcast %shift_left3A_106 : i32 to vector<16x32x2048xi32>
    %shift_left3A_108 = arith.shli %add3A_104, %shift_left3A_107 : vector<16x32x2048xi32>
    %shift_right_logical3A_109 = arith.constant 19 : i32
    %shift_right_logical3A_110 = vector.broadcast %shift_right_logical3A_109 : i32 to vector<16x32x2048xi32>
    %shift_right_logical3A_111 = arith.shrui %add3A_104, %shift_right_logical3A_110 : vector<16x32x2048xi32>
    %or3A_112 = arith.ori %shift_left3A_108, %shift_right_logical3A_111 : vector<16x32x2048xi32>
    %xor3A_113 = arith.xori %or3A_112, %add3A_105 : vector<16x32x2048xi32>
    %add3A_114 = arith.addi %add3A_105, %xor3A_113 : vector<16x32x2048xi32>
    %shift_left3A_115 = arith.constant 15 : i32
    %shift_left3A_116 = vector.broadcast %shift_left3A_115 : i32 to vector<16x32x2048xi32>
    %shift_left3A_117 = arith.shli %xor3A_113, %shift_left3A_116 : vector<16x32x2048xi32>
    %shift_right_logical3A_118 = arith.constant 17 : i32
    %shift_right_logical3A_119 = vector.broadcast %shift_right_logical3A_118 : i32 to vector<16x32x2048xi32>
    %shift_right_logical3A_120 = arith.shrui %xor3A_113, %shift_right_logical3A_119 : vector<16x32x2048xi32>
    %or3A_121 = arith.ori %shift_left3A_117, %shift_right_logical3A_120 : vector<16x32x2048xi32>
    %xor3A_122 = arith.xori %or3A_121, %add3A_114 : vector<16x32x2048xi32>
    %add3A_123 = arith.addi %add3A_114, %xor3A_122 : vector<16x32x2048xi32>
    %shift_left3A_124 = arith.constant 26 : i32
    %shift_left3A_125 = vector.broadcast %shift_left3A_124 : i32 to vector<16x32x2048xi32>
    %shift_left3A_126 = arith.shli %xor3A_122, %shift_left3A_125 : vector<16x32x2048xi32>
    %shift_right_logical3A_127 = arith.constant 6 : i32
    %shift_right_logical3A_128 = vector.broadcast %shift_right_logical3A_127 : i32 to vector<16x32x2048xi32>
    %shift_right_logical3A_129 = arith.shrui %xor3A_122, %shift_right_logical3A_128 : vector<16x32x2048xi32>
    %or3A_130 = arith.ori %shift_left3A_126, %shift_right_logical3A_129 : vector<16x32x2048xi32>
    %xor3A_131 = arith.xori %or3A_130, %add3A_123 : vector<16x32x2048xi32>
    %add3A_132 = arith.addi %add3A_123, %xor3A_131 : vector<16x32x2048xi32>
    %shift_left3A_133 = arith.constant 6 : i32
    %shift_left3A_134 = vector.broadcast %shift_left3A_133 : i32 to vector<16x32x2048xi32>
    %shift_left3A_135 = arith.shli %xor3A_131, %shift_left3A_134 : vector<16x32x2048xi32>
    %shift_right_logical3A_136 = arith.constant 26 : i32
    %shift_right_logical3A_137 = vector.broadcast %shift_right_logical3A_136 : i32 to vector<16x32x2048xi32>
    %shift_right_logical3A_138 = arith.shrui %xor3A_131, %shift_right_logical3A_137 : vector<16x32x2048xi32>
    %or3A_139 = arith.ori %shift_left3A_135, %shift_right_logical3A_138 : vector<16x32x2048xi32>
    %xor3A_140 = arith.xori %or3A_139, %add3A_132 : vector<16x32x2048xi32>
    %add3A_141 = vector.broadcast %get3A_10 : i32 to vector<16x32x2048xi32>
    %add3A_142 = arith.addi %add3A_132, %add3A_141 : vector<16x32x2048xi32>
    %add3A_143 = vector.broadcast %get3A_12 : i32 to vector<16x32x2048xi32>
    %add3A_144 = arith.addi %xor3A_140, %add3A_143 : vector<16x32x2048xi32>
    %add3A_145 = arith.constant 3 : i32
    %add3A_146 = vector.broadcast %add3A_145 : i32 to vector<16x32x2048xi32>
    %add3A_147 = arith.addi %add3A_144, %add3A_146 : vector<16x32x2048xi32>
    %add3A_148 = arith.addi %add3A_142, %add3A_147 : vector<16x32x2048xi32>
    %shift_left3A_149 = arith.constant 17 : i32
    %shift_left3A_150 = vector.broadcast %shift_left3A_149 : i32 to vector<16x32x2048xi32>
    %shift_left3A_151 = arith.shli %add3A_147, %shift_left3A_150 : vector<16x32x2048xi32>
    %shift_right_logical3A_152 = arith.constant 15 : i32
    %shift_right_logical3A_153 = vector.broadcast %shift_right_logical3A_152 : i32 to vector<16x32x2048xi32>
    %shift_right_logical3A_154 = arith.shrui %add3A_147, %shift_right_logical3A_153 : vector<16x32x2048xi32>
    %or3A_155 = arith.ori %shift_left3A_151, %shift_right_logical3A_154 : vector<16x32x2048xi32>
    %xor3A_156 = arith.xori %or3A_155, %add3A_148 : vector<16x32x2048xi32>
    %add3A_157 = arith.addi %add3A_148, %xor3A_156 : vector<16x32x2048xi32>
    %shift_left3A_158 = arith.constant 29 : i32
    %shift_left3A_159 = vector.broadcast %shift_left3A_158 : i32 to vector<16x32x2048xi32>
    %shift_left3A_160 = arith.shli %xor3A_156, %shift_left3A_159 : vector<16x32x2048xi32>
    %shift_right_logical3A_161 = arith.constant 3 : i32
    %shift_right_logical3A_162 = vector.broadcast %shift_right_logical3A_161 : i32 to vector<16x32x2048xi32>
    %shift_right_logical3A_163 = arith.shrui %xor3A_156, %shift_right_logical3A_162 : vector<16x32x2048xi32>
    %or3A_164 = arith.ori %shift_left3A_160, %shift_right_logical3A_163 : vector<16x32x2048xi32>
    %xor3A_165 = arith.xori %or3A_164, %add3A_157 : vector<16x32x2048xi32>
    %add3A_166 = arith.addi %add3A_157, %xor3A_165 : vector<16x32x2048xi32>
    %shift_left3A_167 = arith.constant 16 : i32
    %shift_left3A_168 = vector.broadcast %shift_left3A_167 : i32 to vector<16x32x2048xi32>
    %shift_left3A_169 = arith.shli %xor3A_165, %shift_left3A_168 : vector<16x32x2048xi32>
    %shift_right_logical3A_170 = arith.constant 16 : i32
    %shift_right_logical3A_171 = vector.broadcast %shift_right_logical3A_170 : i32 to vector<16x32x2048xi32>
    %shift_right_logical3A_172 = arith.shrui %xor3A_165, %shift_right_logical3A_171 : vector<16x32x2048xi32>
    %or3A_173 = arith.ori %shift_left3A_169, %shift_right_logical3A_172 : vector<16x32x2048xi32>
    %xor3A_174 = arith.xori %or3A_173, %add3A_166 : vector<16x32x2048xi32>
    %add3A_175 = arith.addi %add3A_166, %xor3A_174 : vector<16x32x2048xi32>
    %shift_left3A_176 = arith.constant 24 : i32
    %shift_left3A_177 = vector.broadcast %shift_left3A_176 : i32 to vector<16x32x2048xi32>
    %shift_left3A_178 = arith.shli %xor3A_174, %shift_left3A_177 : vector<16x32x2048xi32>
    %shift_right_logical3A_179 = arith.constant 8 : i32
    %shift_right_logical3A_180 = vector.broadcast %shift_right_logical3A_179 : i32 to vector<16x32x2048xi32>
    %shift_right_logical3A_181 = arith.shrui %xor3A_174, %shift_right_logical3A_180 : vector<16x32x2048xi32>
    %or3A_182 = arith.ori %shift_left3A_178, %shift_right_logical3A_181 : vector<16x32x2048xi32>
    %xor3A_183 = arith.xori %or3A_182, %add3A_175 : vector<16x32x2048xi32>
    %add3A_184 = vector.broadcast %get3A_12 : i32 to vector<16x32x2048xi32>
    %add3A_185 = arith.addi %add3A_175, %add3A_184 : vector<16x32x2048xi32>
    %add3A_186 = vector.broadcast %xor3A_14 : i32 to vector<16x32x2048xi32>
    %add3A_187 = arith.addi %xor3A_183, %add3A_186 : vector<16x32x2048xi32>
    %add3A_188 = arith.constant 4 : i32
    %add3A_189 = vector.broadcast %add3A_188 : i32 to vector<16x32x2048xi32>
    %add3A_190 = arith.addi %add3A_187, %add3A_189 : vector<16x32x2048xi32>
    %add3A_191 = arith.addi %add3A_185, %add3A_190 : vector<16x32x2048xi32>
    %shift_left3A_192 = arith.constant 13 : i32
    %shift_left3A_193 = vector.broadcast %shift_left3A_192 : i32 to vector<16x32x2048xi32>
    %shift_left3A_194 = arith.shli %add3A_190, %shift_left3A_193 : vector<16x32x2048xi32>
    %shift_right_logical3A_195 = arith.constant 19 : i32
    %shift_right_logical3A_196 = vector.broadcast %shift_right_logical3A_195 : i32 to vector<16x32x2048xi32>
    %shift_right_logical3A_197 = arith.shrui %add3A_190, %shift_right_logical3A_196 : vector<16x32x2048xi32>
    %or3A_198 = arith.ori %shift_left3A_194, %shift_right_logical3A_197 : vector<16x32x2048xi32>
    %xor3A_199 = arith.xori %or3A_198, %add3A_191 : vector<16x32x2048xi32>
    %add3A_200 = arith.addi %add3A_191, %xor3A_199 : vector<16x32x2048xi32>
    %shift_left3A_201 = arith.constant 15 : i32
    %shift_left3A_202 = vector.broadcast %shift_left3A_201 : i32 to vector<16x32x2048xi32>
    %shift_left3A_203 = arith.shli %xor3A_199, %shift_left3A_202 : vector<16x32x2048xi32>
    %shift_right_logical3A_204 = arith.constant 17 : i32
    %shift_right_logical3A_205 = vector.broadcast %shift_right_logical3A_204 : i32 to vector<16x32x2048xi32>
    %shift_right_logical3A_206 = arith.shrui %xor3A_199, %shift_right_logical3A_205 : vector<16x32x2048xi32>
    %or3A_207 = arith.ori %shift_left3A_203, %shift_right_logical3A_206 : vector<16x32x2048xi32>
    %xor3A_208 = arith.xori %or3A_207, %add3A_200 : vector<16x32x2048xi32>
    %add3A_209 = arith.addi %add3A_200, %xor3A_208 : vector<16x32x2048xi32>
    %shift_left3A_210 = arith.constant 26 : i32
    %shift_left3A_211 = vector.broadcast %shift_left3A_210 : i32 to vector<16x32x2048xi32>
    %shift_left3A_212 = arith.shli %xor3A_208, %shift_left3A_211 : vector<16x32x2048xi32>
    %shift_right_logical3A_213 = arith.constant 6 : i32
    %shift_right_logical3A_214 = vector.broadcast %shift_right_logical3A_213 : i32 to vector<16x32x2048xi32>
    %shift_right_logical3A_215 = arith.shrui %xor3A_208, %shift_right_logical3A_214 : vector<16x32x2048xi32>
    %or3A_216 = arith.ori %shift_left3A_212, %shift_right_logical3A_215 : vector<16x32x2048xi32>
    %xor3A_217 = arith.xori %or3A_216, %add3A_209 : vector<16x32x2048xi32>
    %add3A_218 = arith.addi %add3A_209, %xor3A_217 : vector<16x32x2048xi32>
    %shift_left3A_219 = arith.constant 6 : i32
    %shift_left3A_220 = vector.broadcast %shift_left3A_219 : i32 to vector<16x32x2048xi32>
    %shift_left3A_221 = arith.shli %xor3A_217, %shift_left3A_220 : vector<16x32x2048xi32>
    %shift_right_logical3A_222 = arith.constant 26 : i32
    %shift_right_logical3A_223 = vector.broadcast %shift_right_logical3A_222 : i32 to vector<16x32x2048xi32>
    %shift_right_logical3A_224 = arith.shrui %xor3A_217, %shift_right_logical3A_223 : vector<16x32x2048xi32>
    %or3A_225 = arith.ori %shift_left3A_221, %shift_right_logical3A_224 : vector<16x32x2048xi32>
    %xor3A_226 = arith.xori %or3A_225, %add3A_218 : vector<16x32x2048xi32>
    %add3A_227 = vector.broadcast %xor3A_14 : i32 to vector<16x32x2048xi32>
    %add3A_228 = arith.addi %add3A_218, %add3A_227 : vector<16x32x2048xi32>
    %add3A_229 = vector.broadcast %get3A_10 : i32 to vector<16x32x2048xi32>
    %add3A_230 = arith.addi %xor3A_226, %add3A_229 : vector<16x32x2048xi32>
    %add3A_231 = arith.constant 5 : i32
    %add3A_232 = vector.broadcast %add3A_231 : i32 to vector<16x32x2048xi32>
    %add3A_233 = arith.addi %add3A_230, %add3A_232 : vector<16x32x2048xi32>
    %xor3A_234 = arith.xori %add3A_228, %add3A_233 : vector<16x32x2048xi32>
    %shift_right_logical3A_235 = arith.constant 9 : i32
    %shift_right_logical3A_236 = vector.broadcast %shift_right_logical3A_235 : i32 to vector<16x32x2048xi32>
    %shift_right_logical3A_237 = arith.shrui %xor3A_234, %shift_right_logical3A_236 : vector<16x32x2048xi32>
    %or3A_238 = arith.constant 1065353216 : i32
    %or3A_239 = vector.broadcast %or3A_238 : i32 to vector<16x32x2048xi32>
    %or3A_240 = arith.ori %shift_right_logical3A_237, %or3A_239 : vector<16x32x2048xi32>
    %bitcast_convert_type3A = tpu.bitcast %or3A_240 : vector<16x32x2048xi32> -> vector<16x32x2048xf32>
    %sub3A = arith.constant 1.000000e+00 : f32
    %sub3A_241 = vector.broadcast %sub3A : f32 to vector<16x32x2048xf32>
    %sub3A_242 = arith.subf %bitcast_convert_type3A, %sub3A_241 : vector<16x32x2048xf32>
    %sub3A_243 = arith.constant 1.000000e+00 : f32
    %sub3A_244 = arith.constant -0.99999994 : f32
    %sub3A_245 = arith.subf %sub3A_243, %sub3A_244 : f32
    %mul3A_246 = vector.broadcast %sub3A_245 : f32 to vector<16x32x2048xf32>
    %mul3A_247 = arith.mulf %sub3A_242, %mul3A_246 : vector<16x32x2048xf32>
    %add3A_248 = arith.constant -0.99999994 : f32
    %add3A_249 = vector.broadcast %add3A_248 : f32 to vector<16x32x2048xf32>
    %add3A_250 = arith.addf %mul3A_247, %add3A_249 : vector<16x32x2048xf32>
    %max3A = arith.constant -0.99999994 : f32
    %max3A_251 = vector.broadcast %max3A : f32 to vector<16x32x2048xf32>
    %max3A_252 = arith.maximumf %max3A_251, %add3A_250 : vector<16x32x2048xf32>
    %sub3A_253 = arith.constant 1.000000e+00 : f32
    %sub3A_254 = vector.broadcast %sub3A_253 : f32 to vector<16x32x2048xf32>
    %sub3A_255 = arith.subf %sub3A_254, %max3A_252 : vector<16x32x2048xf32>
    %add3A_256 = arith.constant 1.000000e+00 : f32
    %add3A_257 = vector.broadcast %add3A_256 : f32 to vector<16x32x2048xf32>
    %add3A_258 = arith.addf %add3A_257, %max3A_252 : vector<16x32x2048xf32>
    %mul3A_259 = arith.mulf %sub3A_255, %add3A_258 : vector<16x32x2048xf32>
    %log3A = math.log %mul3A_259 : vector<16x32x2048xf32>
    %neg3A = arith.constant 0.000000e+00 : f32
    %neg3A_260 = vector.broadcast %neg3A : f32 to vector<16x32x2048xf32>
    %neg3A_261 = arith.subf %neg3A_260, %log3A : vector<16x32x2048xf32>
    %sub3A_262 = arith.constant 2.500000e+00 : f32
    %sub3A_263 = vector.broadcast %sub3A_262 : f32 to vector<16x32x2048xf32>
    %sub3A_264 = arith.subf %neg3A_261, %sub3A_263 : vector<16x32x2048xf32>
    %mul3A_265 = arith.constant 2.81022636E-8 : f32
    %mul3A_266 = vector.broadcast %mul3A_265 : f32 to vector<16x32x2048xf32>
    %mul3A_267 = arith.mulf %mul3A_266, %sub3A_264 : vector<16x32x2048xf32>
    %add3A_268 = arith.constant 3.43273939E-7 : f32
    %add3A_269 = vector.broadcast %add3A_268 : f32 to vector<16x32x2048xf32>
    %add3A_270 = arith.addf %add3A_269, %mul3A_267 : vector<16x32x2048xf32>
    %mul3A_271 = arith.mulf %add3A_270, %sub3A_264 : vector<16x32x2048xf32>
    %add3A_272 = arith.constant -3.5233877E-6 : f32
    %add3A_273 = vector.broadcast %add3A_272 : f32 to vector<16x32x2048xf32>
    %add3A_274 = arith.addf %add3A_273, %mul3A_271 : vector<16x32x2048xf32>
    %mul3A_275 = arith.mulf %add3A_274, %sub3A_264 : vector<16x32x2048xf32>
    %add3A_276 = arith.constant -4.39150654E-6 : f32
    %add3A_277 = vector.broadcast %add3A_276 : f32 to vector<16x32x2048xf32>
    %add3A_278 = arith.addf %add3A_277, %mul3A_275 : vector<16x32x2048xf32>
    %mul3A_279 = arith.mulf %add3A_278, %sub3A_264 : vector<16x32x2048xf32>
    %add3A_280 = arith.constant 2.1858087E-4 : f32
    %add3A_281 = vector.broadcast %add3A_280 : f32 to vector<16x32x2048xf32>
    %add3A_282 = arith.addf %add3A_281, %mul3A_279 : vector<16x32x2048xf32>
    %mul3A_283 = arith.mulf %add3A_282, %sub3A_264 : vector<16x32x2048xf32>
    %add3A_284 = arith.constant -0.00125372503 : f32
    %add3A_285 = vector.broadcast %add3A_284 : f32 to vector<16x32x2048xf32>
    %add3A_286 = arith.addf %add3A_285, %mul3A_283 : vector<16x32x2048xf32>
    %mul3A_287 = arith.mulf %add3A_286, %sub3A_264 : vector<16x32x2048xf32>
    %add3A_288 = arith.constant -0.00417768164 : f32
    %add3A_289 = vector.broadcast %add3A_288 : f32 to vector<16x32x2048xf32>
    %add3A_290 = arith.addf %add3A_289, %mul3A_287 : vector<16x32x2048xf32>
    %mul3A_291 = arith.mulf %add3A_290, %sub3A_264 : vector<16x32x2048xf32>
    %add3A_292 = arith.constant 0.246640727 : f32
    %add3A_293 = vector.broadcast %add3A_292 : f32 to vector<16x32x2048xf32>
    %add3A_294 = arith.addf %add3A_293, %mul3A_291 : vector<16x32x2048xf32>
    %mul3A_295 = arith.mulf %add3A_294, %sub3A_264 : vector<16x32x2048xf32>
    %add3A_296 = arith.constant 1.50140941 : f32
    %add3A_297 = vector.broadcast %add3A_296 : f32 to vector<16x32x2048xf32>
    %add3A_298 = arith.addf %add3A_297, %mul3A_295 : vector<16x32x2048xf32>
    %sqrt3A = math.sqrt %neg3A_261 : vector<16x32x2048xf32>
    %sub3A_299 = arith.constant 3.000000e+00 : f32
    %sub3A_300 = vector.broadcast %sub3A_299 : f32 to vector<16x32x2048xf32>
    %sub3A_301 = arith.subf %sqrt3A, %sub3A_300 : vector<16x32x2048xf32>
    %mul3A_302 = arith.constant -2.00214257E-4 : f32
    %mul3A_303 = vector.broadcast %mul3A_302 : f32 to vector<16x32x2048xf32>
    %mul3A_304 = arith.mulf %mul3A_303, %sub3A_301 : vector<16x32x2048xf32>
    %add3A_305 = arith.constant 1.00950558E-4 : f32
    %add3A_306 = vector.broadcast %add3A_305 : f32 to vector<16x32x2048xf32>
    %add3A_307 = arith.addf %add3A_306, %mul3A_304 : vector<16x32x2048xf32>
    %mul3A_308 = arith.mulf %add3A_307, %sub3A_301 : vector<16x32x2048xf32>
    %add3A_309 = arith.constant 0.00134934322 : f32
    %add3A_310 = vector.broadcast %add3A_309 : f32 to vector<16x32x2048xf32>
    %add3A_311 = arith.addf %add3A_310, %mul3A_308 : vector<16x32x2048xf32>
    %mul3A_312 = arith.mulf %add3A_311, %sub3A_301 : vector<16x32x2048xf32>
    %add3A_313 = arith.constant -0.00367342844 : f32
    %add3A_314 = vector.broadcast %add3A_313 : f32 to vector<16x32x2048xf32>
    %add3A_315 = arith.addf %add3A_314, %mul3A_312 : vector<16x32x2048xf32>
    %mul3A_316 = arith.mulf %add3A_315, %sub3A_301 : vector<16x32x2048xf32>
    %add3A_317 = arith.constant 0.00573950773 : f32
    %add3A_318 = vector.broadcast %add3A_317 : f32 to vector<16x32x2048xf32>
    %add3A_319 = arith.addf %add3A_318, %mul3A_316 : vector<16x32x2048xf32>
    %mul3A_320 = arith.mulf %add3A_319, %sub3A_301 : vector<16x32x2048xf32>
    %add3A_321 = arith.constant -0.0076224613 : f32
    %add3A_322 = vector.broadcast %add3A_321 : f32 to vector<16x32x2048xf32>
    %add3A_323 = arith.addf %add3A_322, %mul3A_320 : vector<16x32x2048xf32>
    %mul3A_324 = arith.mulf %add3A_323, %sub3A_301 : vector<16x32x2048xf32>
    %add3A_325 = arith.constant 0.00943887047 : f32
    %add3A_326 = vector.broadcast %add3A_325 : f32 to vector<16x32x2048xf32>
    %add3A_327 = arith.addf %add3A_326, %mul3A_324 : vector<16x32x2048xf32>
    %mul3A_328 = arith.mulf %add3A_327, %sub3A_301 : vector<16x32x2048xf32>
    %add3A_329 = arith.constant 1.00167406 : f32
    %add3A_330 = vector.broadcast %add3A_329 : f32 to vector<16x32x2048xf32>
    %add3A_331 = arith.addf %add3A_330, %mul3A_328 : vector<16x32x2048xf32>
    %mul3A_332 = arith.mulf %add3A_331, %sub3A_301 : vector<16x32x2048xf32>
    %add3A_333 = arith.constant 2.83297682 : f32
    %add3A_334 = vector.broadcast %add3A_333 : f32 to vector<16x32x2048xf32>
    %add3A_335 = arith.addf %add3A_334, %mul3A_332 : vector<16x32x2048xf32>
    %lt3A = arith.constant 5.000000e+00 : f32
    %lt3A_336 = vector.broadcast %lt3A : f32 to vector<16x32x2048xf32>
    %lt3A_337 = arith.cmpf olt, %neg3A_261, %lt3A_336 : vector<16x32x2048xf32>
    %select_n3A = arith.select %lt3A_337, %add3A_298, %add3A_335 : vector<16x32x2048xi1>, vector<16x32x2048xf32>
    %mul3A_338 = arith.constant 1.41421354 : f32
    %mul3A_339 = vector.broadcast %mul3A_338 : f32 to vector<16x32x2048xf32>
    %mul3A_340 = arith.mulf %mul3A_339, %select_n3A : vector<16x32x2048xf32>
    %mul3A_341 = arith.mulf %mul3A_340, %max3A_252 : vector<16x32x2048xf32>
    %get3A_342 = arith.constant 0 : index
    %get3A_343 = arith.constant 0 : index
    %get3A_344 = vector.load %arg3[%get3A_342, %get3A_343] : memref<32x2048xf32, #tpu.memory_space<vmem>>, vector<32x2048xf32>
    %exp3A = math.exp %get3A_344 : vector<32x2048xf32>
    %get3A_345 = arith.constant 0 : index
    %get3A_346 = arith.constant 0 : index
    %get3A_347 = vector.load %arg2[%get3A_345, %get3A_346] : memref<32x2048xf32, #tpu.memory_space<vmem>>, vector<32x2048xf32>
    %broadcast_in_dim3A_348 = vector.shape_cast %get3A_347 : vector<32x2048xf32> to vector<1x32x2048xf32>
    %broadcast_in_dim3A_349 = vector.shape_cast %exp3A : vector<32x2048xf32> to vector<1x32x2048xf32>
    %mul3A_350 = vector.broadcast %broadcast_in_dim3A_349 : vector<1x32x2048xf32> to vector<16x32x2048xf32>
    %mul3A_351 = arith.mulf %mul3A_350, %mul3A_341 : vector<16x32x2048xf32>
    %add3A_352 = vector.broadcast %broadcast_in_dim3A_348 : vector<1x32x2048xf32> to vector<16x32x2048xf32>
    %add3A_353 = arith.addf %add3A_352, %mul3A_351 : vector<16x32x2048xf32>
    %swap3A = arith.constant 0 : index
    %swap3A_354 = arith.constant 0 : index
    %swap3A_355 = arith.constant 0 : index
    %swap3A_356 = vector.load %arg4[%swap3A, %swap3A_354, %swap3A_355] : memref<16x32x2048xf32, #tpu.memory_space<vmem>>, vector<16x32x2048xf32>
    tpu.vector_store %arg4[%swap3A, %swap3A_354, %swap3A_355], %add3A_353 {strides = array<i32>} : memref<16x32x2048xf32, #tpu.memory_space<vmem>>, vector<16x32x2048xf32>,
    return
  }
  func.func @transform_0(%arg0: i32) -> i32 {
    %c0_i32 = arith.constant 0 : i32
    %c0_i32_0 = arith.constant 0 : i32
    return %c0_i32 : i32
  }
  func.func @transform_1(%arg0: i32) -> (i32, i32) {
    %c0_i32 = arith.constant 0 : i32
    %c0_i32_0 = arith.constant 0 : i32
    return %c0_i32, %arg0 : i32, i32
  }
  func.func @transform_2(%arg0: i32) -> (i32, i32) {
    %c0_i32 = arith.constant 0 : i32
    %c0_i32_0 = arith.constant 0 : i32
    return %c0_i32, %arg0 : i32, i32
  }
  func.func @transform_3(%arg0: i32) -> (i32, i32, i32) {
    %c0_i32 = arith.constant 0 : i32
    %c0_i32_0 = arith.constant 0 : i32
    %c0_i32_1 = arith.constant 0 : i32
    return %c0_i32, %c0_i32_0, %arg0 : i32, i32, i32
  }
}

</mosaic_0001>

<sc_bundles>
// kernel: kernel.5.cloned.1.call-start
scs
__scs_entry_jumppad:
0x0: {  	(pc) =	sbr.rel $0x88, $3  }
0x1: {  	(tag) =	ssettag $0x0;
	lr =	simm.s32 $0x1  }
0x2: {  	[smem:$0x3F9B] =	sst lr;
	_ =	strace $0xD0000000  }
0x3: {  	_ = 	snop  }
0x4: {  	_ = 	snop  }
0x5: {  	_ = 	snop  }
0x6: {  	_ = 	snop  }
0x7: {  	_ = 	snop  }
__scs_overlays_trampoline_lowered:
0x8: {  	[smem:$0x3FAA] =	sst s0  }
0x9: {  	[smem:$0x3FAB] =	sst s1  }
0xa: {  	[smem:$0x3FAC] =	sst s2  }
0xb: {  	[smem:$0x3FAD] =	sst s3  }
0xc: {  	[smem:$0x3FAE] =	sst s4  }
0xd: {  	[smem:$0x3FAF] =	sst s5  }
0xe: {  	[smem:$0x3FB0] =	sst s6  }
0xf: {  	[smem:$0x3FB1] =	sst s7  }
0x10: {  	[smem:$0x3FB2] =	sst s8  }
0x11: {  	[smem:$0x3FB3] =	sst s9;
	s0 =	simm.s32 @!p0 $0x0  }
0x12: {  	s1 =	sld [smem:$0x3F99];
	s0 =	simm.s32 @p0 $0x1  }
0x13: {  	[smem:$0x3FB4] =	sst s0;
	s0 =	simm.s32 @!p1 $0x0  }
0x14: {  	s2 =	sld [smem:$0x3F98];
	s0 =	simm.s32 @p1 $0x1  }
0x15: {  	[smem:$0x3FB5] =	sst s0;
	s0 =	simm.s32 @!p2 $0x0  }
0x16: {  	s3 =	sld [smem:$0x3FDB];
	s0 =	simm.s32 @p2 $0x1  }
0x17: {  	s4 =	simm.s32 $0x1BF5;
	[smem:$0x3FB7] =	sst s0  }
0x18: {  	s0 =	sld [smem:$0x3F9A];
	_ =	swait.ge [sflag:s4], $0x0  }
0x19: {  	s7 =	sld [smem:$0x3F9B]  }
0x1a: {  	s8 =	sadd.s32 $0xFFFFE003, lr  }
0x1b: {  	s9 =	sadd.s32 $0xFFFFFEF7, lr;
	s5 =	simm.s32 $0xFFFFFFFF;
	p2 =	slt.u32 s8, $0xFFFFF086  }
0x1c: {  	p1 =	slt.u32 s9, $0xF7A;
	s5 =	simm.s32 @!p2 $0x0  }
0x1d: {  	s5 =	simm.s32 @p1 $0x1;
	p0 =	seq.s32 s7, s2  }
0x1e: {  	s7 =	smul.u32 @!p0 $0xF7A, s2;
	p2 =	seq.s32 @!p0 s5, $0x0  }
0x1f: {  	s9 =	smul.u32 $0xF7A, s1;
	s8 =	simm.s32 @!p0 $0x1BF5;
	p2 =	por !p2, p0  }
0x20: {  	[sflag:s8] =	ssyncset.s32 @!p0 $0xFFFFF086;
	s6 =	sadd.s32 @!p0 s3, s7;
	s7 =	simm.s32 @!p0 $0x108  }
0x21: {  	s3 =	sadd.s32 s3, s9;
	s6 =	sadd.s32 @!p0 $0x88, s6;
	s7 =	simm.s32 @p2 $0x1082  }
0x22: {  	[simem:s7], [sflag:s8] =	dma.local @!p0 [hbm:s6], $0xF7A  }
0x23: {  	s9 =	sor.u32 $0xD0000000, s2;
	s6 =	simm.s32 $0x108;
	_ =	swait.ge @!p0 [sflag:s8], $0x0  }
0x24: {  	s3 =	sadd.s32 $0x88, s3;
	s6 =	simm.s32 @!p1 $0x1082;
	[sflag:s4] =	ssyncset.s32 $0xFFFFF086  }
0x25: {  	[simem:s6], [sflag:s4] =	dma.local [hbm:s3], $0xF7A  }
0x26: {  	[smem:$0x3F9B] =	sst s1;
	(tag) =	ssettag s2;
	_ =	strace s9  }
0x27: {  	s1 =	sld [smem:$0x3FAB]  }
0x28: {  	s2 =	sld [smem:$0x3FAC]  }
0x29: {  	s4 =	sld [smem:$0x3FAE]  }
0x2a: {  	p0 =	seq.s32 s5, $0x0;
	s5 =	sld [smem:$0x3FAF]  }
0x2b: {  	s6 =	sld [smem:$0x3FB0]  }
0x2c: {  	s7 =	sld [smem:$0x3FB1]  }
0x2d: {  	s3 =	simm.s32 $0x108;
	s8 =	sld [smem:$0x3FB2]  }
0x2e: {  	s3 =	simm.s32 @!p0 $0x1082;
	s9 =	sld [smem:$0x3FB3]  }
0x2f: {  	lr =	sadd.s32 s0, s3;
	s0 =	sld [smem:$0x3FAA]  }
0x30: {  	s3 =	sld [smem:$0x3FAD]  }
0x31: {  	[smem:$0x3FB6] =	sst s10  }
0x32: {  	s10 =	sld [smem:$0x3FB4];
	_ =	sdelay $0x3  }
0x33: {  	p0 =	seq.s32 s10, $0x1;
	s10 =	sld [smem:$0x3FB6];
	_ =	sdelay $0x3  }
0x34: {  	[smem:$0x3FB6] =	sst s10  }
0x35: {  	s10 =	sld [smem:$0x3FB5];
	_ =	sdelay $0x3  }
0x36: {  	p1 =	seq.s32 s10, $0x1;
	s10 =	sld [smem:$0x3FB6];
	_ =	sdelay $0x3  }
0x37: {  	[smem:$0x3FB6] =	sst s10  }
0x38: {  	s10 =	sld [smem:$0x3FB7]  }
0x39: {  	_ = 	snop;
	(pc) =	sbr.ind lr, $3  }
0x3a: {  	_ = 	snop  }
0x3b: {  	_ = 	snop  }
0x3c: {  	p2 =	seq.s32 s10, $0x1;
	s10 =	sld [smem:$0x3FB6]  }
0x3d: {  	_ =	shalt  }
0x3e: {  	_ =	shalt  }
0x3f: {  	_ =	shalt  }
0x40: {  	_ =	shalt  }
0x41: {  	_ =	shalt  }
0x42: {  	_ =	shalt  }
0x43: {  	_ =	shalt  }
0x44: {  	_ =	shalt  }
0x45: {  	_ =	shalt  }
0x46: {  	_ =	shalt  }
0x47: {  	_ =	shalt  }
0x48: {  	_ =	shalt  }
0x49: {  	_ =	shalt  }
0x4a: {  	_ =	shalt  }
0x4b: {  	_ =	shalt  }
0x4c: {  	_ =	shalt  }
0x4d: {  	_ =	shalt  }
0x4e: {  	_ =	shalt  }
0x4f: {  	_ =	shalt  }
0x50: {  	_ =	shalt  }
0x51: {  	_ =	shalt  }
0x52: {  	_ =	shalt  }
0x53: {  	_ =	shalt  }
0x54: {  	_ =	shalt  }
0x55: {  	_ =	shalt  }
0x56: {  	_ =	shalt  }
0x57: {  	_ =	shalt  }
0x58: {  	_ =	shalt  }
0x59: {  	_ =	shalt  }
0x5a: {  	_ =	shalt  }
0x5b: {  	_ =	shalt  }
0x5c: {  	_ =	shalt  }
0x5d: {  	_ =	shalt  }
0x5e: {  	_ =	shalt  }
0x5f: {  	_ =	shalt  }
0x60: {  	_ =	shalt  }
0x61: {  	_ =	shalt  }
0x62: {  	_ =	shalt  }
0x63: {  	_ =	shalt  }
0x64: {  	_ =	shalt  }
0x65: {  	_ =	shalt  }
0x66: {  	_ =	shalt  }
0x67: {  	_ =	shalt  }
0x68: {  	_ =	shalt  }
0x69: {  	_ =	shalt  }
0x6a: {  	_ =	shalt  }
0x6b: {  	_ =	shalt  }
0x6c: {  	_ =	shalt  }
0x6d: {  	_ =	shalt  }
0x6e: {  	_ =	shalt  }
0x6f: {  	_ =	shalt  }
0x70: {  	_ =	shalt  }
0x71: {  	_ =	shalt  }
0x72: {  	_ =	shalt  }
0x73: {  	_ =	shalt  }
0x74: {  	_ =	shalt  }
0x75: {  	_ =	shalt  }
0x76: {  	_ =	shalt  }
0x77: {  	_ =	shalt  }
0x78: {  	_ =	shalt  }
0x79: {  	_ =	shalt  }
0x7a: {  	_ =	shalt  }
0x7b: {  	_ =	shalt  }
0x7c: {  	_ =	shalt  }
0x7d: {  	_ =	shalt  }
0x7e: {  	_ =	shalt  }
0x7f: {  	_ =	shalt  }
0x80: {  	_ =	shalt  }
0x81: {  	_ =	shalt  }
0x82: {  	_ =	shalt  }
0x83: {  	_ =	shalt  }
0x84: {  	_ =	shalt  }
0x85: {  	_ =	shalt  }
0x86: {  	_ =	shalt  }
0x87: {  	_ =	shalt  }
.Lfunc_end0:
.L_simem_size_0:
called_computation_lowered:
.L_overlay_start_0:
0x88: {  	s2 =	sld [smem:$0x3FD9]  }
0x89: {  	s3 =	sld [smem:$0x3FFE];
	_ =	sdelay $0x1  }
0x8a: {  	s1 =	srdreg.scid  }
0x8b: {  	s0 =	sand.u32 $0x1, s1  }
0x8c: {  	s14 =	sshll.u32 s0, $0xA;
	s2 =	sadd.s32 s3, s2  }
0x8d: {  	s2 =	sadd.s32 s2, s14  }
0x8e: {  	[smem:$0x3FC2] =	sst s2  }
0x8f: {  	_ = 	snop  }
0x90: {  	s2 =	sld [smem:$0x3FD0];
	_ =	sdelay $0x1  }
0x91: {  	s15 =	sld [smem:$0x3FC5]  }
0x92: {  	s5 =	simm.s32 $0xA;
	s6 =	simm.s32 $0x10;
	s4 =	sld [smem:$0x3FC4]  }
0x93: {  	[smem:s6], [sflag:s5] =	dma.local [hbm:s2], $0x1  }
0x94: {  	_ =	swait.eq [sflag:s5], $0x1  }
0x95: {  	[sflag:s5] =	ssyncset.done $0x0  }
0x96: {  	s16 =	sld [smem:$0x10];
	[sflag:s5] =	ssyncadd.s32 $0xFFFFFFFF  }
0x97: {  	s17 =	sld [smem:$0x11];
	(tm) =	ssettm $0x1  }
0x98: {  	s18 =	sld [smem:$0x3FFB];
	_ =	sdelay $0x3  }
0x99: {  	_ =	strace s18  }
0x9a: {  	s6 =	sld [smem:$0x3FFC];
	_ =	sdelay $0x3  }
0x9b: {  	_ =	strace s6  }
0x9c: {  	s6 =	sld [smem:$0x3FFD];
	_ =	sdelay $0x3  }
0x9d: {  	_ =	strace s6  }
0x9e: {  	_ =	strace $0x8FFFFFFF  }
0x9f: {  	s19 =	sld [smem:$0x3FDB];
	_ =	sdelay $0x1  }
0xa0: {  	s7 =	simm.s32 $_scs_section_size  }
0xa1: {  	s8 =	simm.s32 $_size__tile_overlayer_lowered;
	s9 =	simm.s32 $_tile_overlayer_lowered  }
0xa2: {  	s22 =	simm.s32 $0x1BFF;
	s21 =	sshll.u32 s9, $0x1;
	s6 =	sadd.s32 s7, s19  }
0xa3: {  	s10 =	simm.s32 $0x0;
	s20 =	sshll.u32 s8, $0x1;
	s8 =	sadd.s32 s21, s6  }
0xa4: {  	[timem:s10], [sflag:s22] =	dma.local [hbm:s8], s20  }
0xa5: {  	_ =	swait.ge [sflag:s22], s20  }
0xa6: {  	s7 =	ssub.s32 $0x0, s20;
	[sflag:s22] =	ssyncset.done $0x0  }
0xa7: {  	[sflag:s22] =	ssyncadd.s32 s7;
	_ =	sdelay $0x1  }
0xa8: {  	s23 =	simm.s32 $0x1B8B  }
0xa9: {  	_ =	swait.ge [sflag:s23], $0x1  }
0xaa: {  	[sflag:s23] =	ssyncset.done $0x0  }
0xab: {  	s25 =	simm.s32 $0x1B8E;
	s24 =	sld [smem:$0x3FFE];
	[sflag:s23] =	ssyncadd.s32 $0xFFFFFFFF  }
0xac: {  	s26 =	simm.s32 $execute0_lowered;
	[smem:$0x3FD2] =	sst s25  }
0xad: {  	s8 =	sshll.u32 s26, $0x1;
	_ =	strace $0x80000046;
	[dreg:$0x1] =	wrdreg $0xFFFFFFFF  }
0xae: {  	s28 =	simm.s32 $_size_execute0_lowered;
	s6 =	sadd.s32 s6, s8;
	[dreg:$0x0] =	wrdreg $0x0  }
0xaf: {  	s8 =	sshll.u32 s28, $0x1;
	[dreg:$0x2] =	wrdreg s6  }
0xb0: {  	[dreg:$0x3] =	wrdreg s8  }
0xb1: {  	[dreg:$0x4] =	wrdreg $0xC0  }
0xb2: {  	_ =	task [dreg:s10], $0x5FFFF  }
0xb3: {  	[dreg:$0x1] =	wrdreg $0xFFFFFFFF  }
0xb4: {  	[dreg:$0x0] =	wrdreg $0x60  }
0xb5: {  	[dreg:$0x2] =	wrdreg s17  }
0xb6: {  	[dreg:$0x3] =	wrdreg s16  }
0xb7: {  	[dreg:$0x4] =	wrdreg s24  }
0xb8: {  	[dreg:$0x5] =	wrdreg s15  }
0xb9: {  	[dreg:$0x6] =	wrdreg s4  }
0xba: {  	[dreg:$0x7] =	wrdreg $0x9  }
0xbb: {  	_ =	task.clear_ibuf [dreg:s10], $0x8FFFF;
	_ =	strace $0x90000046  }
0xbc: {  	s29 =	simm.s32 $0x9;
	_ =	strace $0x80000048  }
0xbd: {  	_ =	swait.ge [sflag:s29], $0x1  }
0xbe: {  	[sflag:s29] =	ssyncadd.s32 $0xFFFFFFFF  }
0xbf: {  	_ =	strace $0x90000048  }
0xc0: {  	_ =	sfence  }
0xc1: {  	s30 =	sld [smem:$0x0];
	_ =	sdelay $0x2  }
0xc2: {  	s31 =	sshll.u32 s1, $0xD;
	s1 =	sshrl.u32 s1, $0x2  }
0xc3: {  	s3 =	sand.u32 $0x4000, s31;
	s1 =	sadd.s32 s1, s30  }
0xc4: {  	s0 =	sor.u32 s3, s0;
	s1 =	sshll.u32 s1, $0x11  }
0xc5: {  	s0 =	sor.u32 s1, s0  }
0xc6: {  	s0 =	sadd.s32 $0x8F2B, s0  }
0xc7: {  	[sflag:s0] =	ssyncadd.remote.s32 $0x1  }
0xc8: {  	_ =	sfence.sel $0xFFFF  }
0xc9: {  	[dreg:$0x0] =	wrdreg $0xFFFFFFFF;
	(pc) =	sbr.abs _section_cstart, $3  }
0xca: {  	[dreg:$0x1] =	wrdreg $0xFFFFFFFF  }
0xcb: {  	_ =	task.clear_ibuf [dreg:s10], $0x2FFFF;
	_ =	strace $0x9FFFFFFF  }
0xcc: {  	(tm) =	ssettm $0x7FFFFFFF  }
0xcd: {  	_ =	shalt  }
tec
execute0_lowered:
.L_overlay_start_1:
0x0: {  	(tag) =	ssettag $0x1  }
0x1: {  	s8 =	rddreg [dreg:$0x0]  }
0x2: {  	s9 =	rddreg [dreg:$0x1]  }
0x3: {  	s0 =	rddreg [dreg:$0x2];
	s1 =	srdreg.scid  }
0x4: {  	s3 =	rddreg [dreg:$0x3];
	s2 =	stileid.u32  }
0x5: {  	s4 =	rddreg [dreg:$0x4];
	s14 =	simm.s32 $0x200;
	s13 =	simm.s32 $0x80  }
0x6: {  	s16 =	simm.s32 $0x5400;
	s15 =	simm.s32 $0x280;
	s18 =	simm.s32 $0x9400  }
0x7: {  	s19 =	simm.s32 $0xD400;
	s17 =	simm.s32 $0x100;
	s21 =	simm.s32 $0x2400  }
0x8: {  	s22 =	simm.s32 $0x6400;
	s20 =	simm.s32 $0x300;
	p0 =	por $0x0, $0x0  }
0x9: {  	s28 =	simm.s32 $0x3400;
	s29 =	simm.s32 $0x7400;
	s30 =	simm.s32 $0xB400  }
0xa: {  	s31 =	simm.s32 $0xF400;
	s1 =	sand.u32 $0x1, s1;
	s5 =	sshll.u32 s2, $0x3  }
0xb: {  	s2 =	simm.s32 $0x0;
	s11 =	sadd.s32 $0x3600, s0;
	s12 =	sadd.s32 $0x2600, s0  }
0xc: {  	s6 =	sshll.u32 s1, $0x2;
	[smem:$0x7FF] =	sst s2;
	s1 =	ssub.s32 $0x2, s1  }
0xd: {  	s5 =	sor.u32 s6, s5;
	_ =	strace $0x80000047;
	s26 =	sshrl.u32 s1, $0x1  }
0xe: {  	s6 =	sshll.u32 s5, $0x4;
	s5 =	sshll.u32 s5, $0x9;
	s1 =	ssub.s32 s1, s26  }
0xf: {  	s26 =	simm.s32 $0x1400;
	s3 =	sadd.s32 s3, s6;
	s5 =	sadd.s32 s5, s0  }
0x10: {  	s23 =	sadd.s32 s4, s6;
	s10 =	smax.u32 s1, $0x1;
	[dreg:$0xc] =	wrdreg s26  }
0x11: {  	s4 =	simm.s32 $0xC400;
	s26 =	simm.s32 $0x380;
	[dreg:$0x6] =	wrdreg s3  }
0x12: {  	[dreg:$0x7] =	wrdreg s23;
	s24 =	sadd.s32 $0x24600, s5;
	s25 =	sadd.s32 $0x34600, s5  }
0x13: {  	s6 =	sadd.s32 $0x4600, s5;
	s7 =	sadd.s32 $0x14600, s5;
	p1 =	sne.s32 s10, $0x1  }
.Ltmp0:
0x14: {  	s3 =	simm.s32 $0x2;
	[dreg:$0x8] =	wrdreg s24;
	(pc) =	sbr.rel @!p1 .LBB2_3-.Ltmp0, $4  }
0x15: {  	s5 =	simm.s32 $0x8400;
	s23 =	simm.s32 $0x180;
	[dreg:$0x9] =	wrdreg s25  }
0x16: {  	s1 =	sadd.s32 $0xFFFFFFFF, s10;
	s10 =	simm.s32 $0x1;
	[dreg:$0xa] =	wrdreg s6  }
0x17: {  	[dreg:$0xb] =	wrdreg s7;
	s7 =	simm.s32 $0x400;
	s6 =	simm.s32 $0x4400  }
0x18: {  	s24 =	simm.s32 $0xA400;
	s25 =	simm.s32 $0xE400;
	s0 =	rddreg [dreg:$0x6]  }
0x19: {  	[tilespmem:s2], [sflag:$0x2] =	stream.linear.gather [hbm4b:s0+s2], $0x200, $0x38;
	[tilespmem:$0x10400] =	vst v63  }
0x1a: {  	_ =	swait.ge [sflag:s3], $0x200  }
0x1b: {  	[sflag:s3] =	ssyncset.done $0x0  }
0x1c: {  	s0 =	rddreg [dreg:$0x7];
	[sflag:s3] =	ssyncadd.s32 $0xFFFFFE00  }
0x1d: {  	[tilespmem:s14], [sflag:$0x2] =	stream.linear.gather [hbm4b:s0+s2], $0x200, $0x38;
	[tilespmem:$0x10400] =	vst v63  }
0x1e: {  	_ =	swait.ge [sflag:s3], $0x200  }
0x1f: {  	[sflag:s3] =	ssyncset.done $0x0  }
0x20: {  	[sflag:s3] =	ssyncadd.s32 $0xFFFFFE00  }
0x21: {  	[tilespmem:s7], [sflag:$0x1] =	stream.indirect.gather [hbm4b:s8+s13], $0x20, s2, s13, $0xb8;
	[tilespmem:$0x10400] =	vst v63  }
0x22: {  	_ = 	snop  }
0x23: {  	[tilespmem:s6], [sflag:$0x1] =	stream.indirect.gather [hbm4b:s9+s13], $0x20, s2, s13, $0xb8;
	[tilespmem:$0x10400] =	vst v63  }
0x24: {  	_ = 	snop  }
0x25: {  	[tilespmem:s5], [sflag:$0x1] =	stream.indirect.gather [hbm4b:s11+s13], $0x20, s14, s13, $0xb8;
	[tilespmem:$0x10400] =	vst v63  }
0x26: {  	_ = 	snop  }
0x27: {  	[tilespmem:s4], [sflag:$0x1] =	stream.indirect.gather [hbm4b:s12+s13], $0x20, s14, s13, $0xb8;
	[tilespmem:$0x10400] =	vst v63  }
0x28: {  	s0 =	rddreg [dreg:$0xc]  }
0x29: {  	[tilespmem:s0], [sflag:$0x1] =	stream.indirect.gather [hbm4b:s8+s13], $0x20, s13, s13, $0xb8;
	[tilespmem:$0x10400] =	vst v63  }
0x2a: {  	_ = 	snop  }
0x2b: {  	[tilespmem:s16], [sflag:$0x1] =	stream.indirect.gather [hbm4b:s9+s13], $0x20, s13, s13, $0xb8;
	[tilespmem:$0x10400] =	vst v63  }
0x2c: {  	_ = 	snop  }
0x2d: {  	[tilespmem:s18], [sflag:$0x1] =	stream.indirect.gather [hbm4b:s11+s13], $0x20, s15, s13, $0xb8;
	[tilespmem:$0x10400] =	vst v63  }
0x2e: {  	_ = 	snop  }
0x2f: {  	[tilespmem:s19], [sflag:$0x1] =	stream.indirect.gather [hbm4b:s12+s13], $0x20, s15, s13, $0xb8;
	[tilespmem:$0x10400] =	vst v63  }
0x30: {  	_ = 	snop  }
0x31: {  	[tilespmem:s21], [sflag:$0x1] =	stream.indirect.gather [hbm4b:s8+s13], $0x20, s17, s13, $0xb8;
	[tilespmem:$0x10400] =	vst v63  }
0x32: {  	_ = 	snop  }
0x33: {  	[tilespmem:s22], [sflag:$0x1] =	stream.indirect.gather [hbm4b:s9+s13], $0x20, s17, s13, $0xb8;
	[tilespmem:$0x10400] =	vst v63  }
0x34: {  	_ = 	snop  }
0x35: {  	[tilespmem:s24], [sflag:$0x1] =	stream.indirect.gather [hbm4b:s11+s13], $0x20, s20, s13, $0xb8;
	[tilespmem:$0x10400] =	vst v63  }
0x36: {  	_ = 	snop  }
0x37: {  	[tilespmem:s25], [sflag:$0x1] =	stream.indirect.gather [hbm4b:s12+s13], $0x20, s20, s13, $0xb8;
	[tilespmem:$0x10400] =	vst v63  }
0x38: {  	_ = 	snop  }
0x39: {  	[tilespmem:s28], [sflag:$0x1] =	stream.indirect.gather [hbm4b:s8+s13], $0x20, s23, s13, $0xb8;
	[tilespmem:$0x10400] =	vst v63  }
0x3a: {  	_ = 	snop  }
0x3b: {  	[tilespmem:s29], [sflag:$0x1] =	stream.indirect.gather [hbm4b:s9+s13], $0x20, s23, s13, $0xb8;
	[tilespmem:$0x10400] =	vst v63  }
0x3c: {  	_ = 	snop  }
0x3d: {  	[tilespmem:s30], [sflag:$0x1] =	stream.indirect.gather [hbm4b:s11+s13], $0x20, s26, s13, $0xb8;
	[tilespmem:$0x10400] =	vst v63  }
0x3e: {  	_ = 	snop  }
0x3f: {  	[tilespmem:s31], [sflag:$0x1] =	stream.indirect.gather [hbm4b:s12+s13], $0x20, s26, s13, $0xb8;
	[tilespmem:$0x10400] =	vst v63  }
0x40: {  	_ =	swait.ge [sflag:s10], $0x1000  }
0x41: {  	[sflag:s10] =	ssyncset.done $0x0  }
0x42: {  	[sflag:s10] =	ssyncadd.s32 $0xFFFFF000  }
0x43: {  	_ =	swait.ge [sflag:s10], $0x1000  }
0x44: {  	[sflag:s10] =	ssyncset.done $0x0  }
0x45: {  	[sflag:s10] =	ssyncadd.s32 $0xFFFFF000  }
0x46: {  	_ =	swait.ge [sflag:s10], $0x1000  }
0x47: {  	[sflag:s10] =	ssyncset.done $0x0  }
0x48: {  	[sflag:s10] =	ssyncadd.s32 $0xFFFFF000  }
0x49: {  	_ =	swait.ge [sflag:s10], $0x1000  }
0x4a: {  	[sflag:s10] =	ssyncset.done $0x0  }
0x4b: {  	[sflag:s10] =	ssyncadd.s32 $0xFFFFF000  }
0x4c: {  	_ =	swait.ge [sflag:s10], $0x1000  }
0x4d: {  	[sflag:s10] =	ssyncset.done $0x0  }
0x4e: {  	[sflag:s10] =	ssyncadd.s32 $0xFFFFF000  }
0x4f: {  	_ =	swait.ge [sflag:s10], $0x1000  }
0x50: {  	[sflag:s10] =	ssyncset.done $0x0  }
0x51: {  	[sflag:s10] =	ssyncadd.s32 $0xFFFFF000  }
0x52: {  	_ =	swait.ge [sflag:s10], $0x1000  }
0x53: {  	[sflag:s10] =	ssyncset.done $0x0  }
0x54: {  	[sflag:s10] =	ssyncadd.s32 $0xFFFFF000  }
0x55: {  	_ =	swait.ge [sflag:s10], $0x1000  }
0x56: {  	[sflag:s10] =	ssyncset.done $0x0  }
0x57: {  	[sflag:s10] =	ssyncadd.s32 $0xFFFFF000  }
0x58: {  	_ =	swait.ge [sflag:s10], $0x1000  }
0x59: {  	[sflag:s10] =	ssyncset.done $0x0  }
0x5a: {  	[sflag:s10] =	ssyncadd.s32 $0xFFFFF000  }
0x5b: {  	_ =	swait.ge [sflag:s10], $0x1000  }
0x5c: {  	[sflag:s10] =	ssyncset.done $0x0  }
0x5d: {  	[sflag:s10] =	ssyncadd.s32 $0xFFFFF000  }
0x5e: {  	_ =	swait.ge [sflag:s10], $0x1000  }
0x5f: {  	[sflag:s10] =	ssyncset.done $0x0  }
0x60: {  	[sflag:s10] =	ssyncadd.s32 $0xFFFFF000  }
0x61: {  	_ =	swait.ge [sflag:s10], $0x1000  }
0x62: {  	[sflag:s10] =	ssyncset.done $0x0  }
0x63: {  	[sflag:s10] =	ssyncadd.s32 $0xFFFFF000  }
0x64: {  	_ =	swait.ge [sflag:s10], $0x1000  }
0x65: {  	[sflag:s10] =	ssyncset.done $0x0  }
0x66: {  	[sflag:s10] =	ssyncadd.s32 $0xFFFFF000  }
0x67: {  	_ =	swait.ge [sflag:s10], $0x1000  }
0x68: {  	[sflag:s10] =	ssyncset.done $0x0  }
0x69: {  	[sflag:s10] =	ssyncadd.s32 $0xFFFFF000  }
0x6a: {  	_ =	swait.ge [sflag:s10], $0x1000  }
0x6b: {  	[sflag:s10] =	ssyncset.done $0x0  }
0x6c: {  	[sflag:s10] =	ssyncadd.s32 $0xFFFFF000  }
0x6d: {  	_ =	swait.ge [sflag:s10], $0x1000  }
0x6e: {  	[sflag:s10] =	ssyncset.done $0x0  }
0x6f: {  	s0 =	rddreg [dreg:$0x8];
	[sflag:s10] =	ssyncadd.s32 $0xFFFFF000  }
0x70: {  	[hbm4b:s0+s2] =	stream.linear.scatter [tilespmem:s7], [sflag:$0x2], $0x4000, $0x38;
	[tilespmem:$0x10400] =	vst v63  }
0x71: {  	_ =	swait.ge [sflag:s3], $0x4000  }
0x72: {  	[sflag:s3] =	ssyncset.done $0x0  }
0x73: {  	s0 =	rddreg [dreg:$0x9];
	[sflag:s3] =	ssyncadd.s32 $0xFFFFC000  }
0x74: {  	[hbm4b:s0+s2] =	stream.linear.scatter [tilespmem:s6], [sflag:$0x2], $0x4000, $0x38;
	[tilespmem:$0x10400] =	vst v63  }
0x75: {  	_ =	swait.ge [sflag:s3], $0x4000  }
0x76: {  	[sflag:s3] =	ssyncset.done $0x0  }
0x77: {  	s0 =	rddreg [dreg:$0xa];
	[sflag:s3] =	ssyncadd.s32 $0xFFFFC000  }
0x78: {  	[hbm4b:s0+s2] =	stream.linear.scatter [tilespmem:s5], [sflag:$0x2], $0x4000, $0x38;
	[tilespmem:$0x10400] =	vst v63  }
0x79: {  	p1 =	sne.s32 s1, $0x1;
	_ =	swait.ge [sflag:s3], $0x4000  }
.Ltmp1:
0x7a: {  	[sflag:s3] =	ssyncset.done $0x0;
	(pc) =	sbr.rel @!p1 .LBB2_3-.Ltmp1, $4  }
0x7b: {  	s0 =	rddreg [dreg:$0xb];
	[sflag:s3] =	ssyncadd.s32 $0xFFFFC000  }
0x7c: {  	[hbm4b:s0+s2] =	stream.linear.scatter [tilespmem:s4], [sflag:$0x2], $0x4000, $0x38;
	[tilespmem:$0x10400] =	vst v63  }
0x7d: {  	s1 =	sadd.s32 $0xFFFFFFFF, s1;
	_ =	swait.ge [sflag:s3], $0x4000  }
0x7e: {  	p0 =	por $0x1, $0x1;
	s0 =	rddreg [dreg:$0x6];
	[sflag:s3] =	ssyncset.done $0x0  }
.LBB2_2:
0x7f: {  	[sflag:s3] =	ssyncadd.s32 $0xFFFFC000  }
0x80: {  	[tilespmem:s2], [sflag:$0x2] =	stream.linear.gather [hbm4b:s0+s2], $0x200, $0x38;
	[tilespmem:$0x10400] =	vst v63  }
0x81: {  	_ =	swait.ge [sflag:s3], $0x200  }
0x82: {  	[sflag:s3] =	ssyncset.done $0x0  }
0x83: {  	s0 =	rddreg [dreg:$0x7];
	[sflag:s3] =	ssyncadd.s32 $0xFFFFFE00  }
0x84: {  	[tilespmem:s14], [sflag:$0x2] =	stream.linear.gather [hbm4b:s0+s2], $0x200, $0x38;
	[tilespmem:$0x10400] =	vst v63  }
0x85: {  	_ =	swait.ge [sflag:s3], $0x200  }
0x86: {  	[sflag:s3] =	ssyncset.done $0x0  }
0x87: {  	[sflag:s3] =	ssyncadd.s32 $0xFFFFFE00  }
0x88: {  	[tilespmem:s7], [sflag:$0x1] =	stream.indirect.gather [hbm4b:s8+s13], $0x20, s2, s13, $0xb8;
	[tilespmem:$0x10400] =	vst v63  }
0x89: {  	_ = 	snop  }
0x8a: {  	[tilespmem:s6], [sflag:$0x1] =	stream.indirect.gather [hbm4b:s9+s13], $0x20, s2, s13, $0xb8;
	[tilespmem:$0x10400] =	vst v63  }
0x8b: {  	_ = 	snop  }
0x8c: {  	[tilespmem:s5], [sflag:$0x1] =	stream.indirect.gather [hbm4b:s11+s13], $0x20, s14, s13, $0xb8;
	[tilespmem:$0x10400] =	vst v63  }
0x8d: {  	_ = 	snop  }
0x8e: {  	[tilespmem:s4], [sflag:$0x1] =	stream.indirect.gather [hbm4b:s12+s13], $0x20, s14, s13, $0xb8;
	[tilespmem:$0x10400] =	vst v63  }
0x8f: {  	s0 =	rddreg [dreg:$0xc]  }
0x90: {  	[tilespmem:s0], [sflag:$0x1] =	stream.indirect.gather [hbm4b:s8+s13], $0x20, s13, s13, $0xb8;
	[tilespmem:$0x10400] =	vst v63  }
0x91: {  	_ = 	snop  }
0x92: {  	[tilespmem:s16], [sflag:$0x1] =	stream.indirect.gather [hbm4b:s9+s13], $0x20, s13, s13, $0xb8;
	[tilespmem:$0x10400] =	vst v63  }
0x93: {  	_ = 	snop  }
0x94: {  	[tilespmem:s18], [sflag:$0x1] =	stream.indirect.gather [hbm4b:s11+s13], $0x20, s15, s13, $0xb8;
	[tilespmem:$0x10400] =	vst v63  }
0x95: {  	_ = 	snop  }
0x96: {  	[tilespmem:s19], [sflag:$0x1] =	stream.indirect.gather [hbm4b:s12+s13], $0x20, s15, s13, $0xb8;
	[tilespmem:$0x10400] =	vst v63  }
0x97: {  	_ = 	snop  }
0x98: {  	[tilespmem:s21], [sflag:$0x1] =	stream.indirect.gather [hbm4b:s8+s13], $0x20, s17, s13, $0xb8;
	[tilespmem:$0x10400] =	vst v63  }
0x99: {  	_ = 	snop  }
0x9a: {  	[tilespmem:s22], [sflag:$0x1] =	stream.indirect.gather [hbm4b:s9+s13], $0x20, s17, s13, $0xb8;
	[tilespmem:$0x10400] =	vst v63  }
0x9b: {  	_ = 	snop  }
0x9c: {  	[tilespmem:s24], [sflag:$0x1] =	stream.indirect.gather [hbm4b:s11+s13], $0x20, s20, s13, $0xb8;
	[tilespmem:$0x10400] =	vst v63  }
0x9d: {  	_ = 	snop  }
0x9e: {  	[tilespmem:s25], [sflag:$0x1] =	stream.indirect.gather [hbm4b:s12+s13], $0x20, s20, s13, $0xb8;
	[tilespmem:$0x10400] =	vst v63  }
0x9f: {  	_ = 	snop  }
0xa0: {  	[tilespmem:s28], [sflag:$0x1] =	stream.indirect.gather [hbm4b:s8+s13], $0x20, s23, s13, $0xb8;
	[tilespmem:$0x10400] =	vst v63  }
0xa1: {  	_ = 	snop  }
0xa2: {  	[tilespmem:s29], [sflag:$0x1] =	stream.indirect.gather [hbm4b:s9+s13], $0x20, s23, s13, $0xb8;
	[tilespmem:$0x10400] =	vst v63  }
0xa3: {  	_ = 	snop  }
0xa4: {  	[tilespmem:s30], [sflag:$0x1] =	stream.indirect.gather [hbm4b:s11+s13], $0x20, s26, s13, $0xb8;
	[tilespmem:$0x10400] =	vst v63  }
0xa5: {  	_ = 	snop  }
0xa6: {  	[tilespmem:s31], [sflag:$0x1] =	stream.indirect.gather [hbm4b:s12+s13], $0x20, s26, s13, $0xb8;
	[tilespmem:$0x10400] =	vst v63  }
0xa7: {  	_ =	swait.ge [sflag:s10], $0x1000  }
0xa8: {  	[sflag:s10] =	ssyncset.done $0x0  }
0xa9: {  	[sflag:s10] =	ssyncadd.s32 $0xFFFFF000  }
0xaa: {  	_ =	swait.ge [sflag:s10], $0x1000  }
0xab: {  	[sflag:s10] =	ssyncset.done $0x0  }
0xac: {  	[sflag:s10] =	ssyncadd.s32 $0xFFFFF000  }
0xad: {  	_ =	swait.ge [sflag:s10], $0x1000  }
0xae: {  	[sflag:s10] =	ssyncset.done $0x0  }
0xaf: {  	[sflag:s10] =	ssyncadd.s32 $0xFFFFF000  }
0xb0: {  	_ =	swait.ge [sflag:s10], $0x1000  }
0xb1: {  	[sflag:s10] =	ssyncset.done $0x0  }
0xb2: {  	[sflag:s10] =	ssyncadd.s32 $0xFFFFF000  }
0xb3: {  	_ =	swait.ge [sflag:s10], $0x1000  }
0xb4: {  	[sflag:s10] =	ssyncset.done $0x0  }
0xb5: {  	[sflag:s10] =	ssyncadd.s32 $0xFFFFF000  }
0xb6: {  	_ =	swait.ge [sflag:s10], $0x1000  }
0xb7: {  	[sflag:s10] =	ssyncset.done $0x0  }
0xb8: {  	[sflag:s10] =	ssyncadd.s32 $0xFFFFF000  }
0xb9: {  	_ =	swait.ge [sflag:s10], $0x1000  }
0xba: {  	[sflag:s10] =	ssyncset.done $0x0  }
0xbb: {  	[sflag:s10] =	ssyncadd.s32 $0xFFFFF000  }
0xbc: {  	_ =	swait.ge [sflag:s10], $0x1000  }
0xbd: {  	[sflag:s10] =	ssyncset.done $0x0  }
0xbe: {  	[sflag:s10] =	ssyncadd.s32 $0xFFFFF000  }
0xbf: {  	_ =	swait.ge [sflag:s10], $0x1000  }
0xc0: {  	[sflag:s10] =	ssyncset.done $0x0  }
0xc1: {  	[sflag:s10] =	ssyncadd.s32 $0xFFFFF000  }
0xc2: {  	_ =	swait.ge [sflag:s10], $0x1000  }
0xc3: {  	[sflag:s10] =	ssyncset.done $0x0  }
0xc4: {  	[sflag:s10] =	ssyncadd.s32 $0xFFFFF000  }
0xc5: {  	_ =	swait.ge [sflag:s10], $0x1000  }
0xc6: {  	[sflag:s10] =	ssyncset.done $0x0  }
0xc7: {  	[sflag:s10] =	ssyncadd.s32 $0xFFFFF000  }
0xc8: {  	_ =	swait.ge [sflag:s10], $0x1000  }
0xc9: {  	[sflag:s10] =	ssyncset.done $0x0  }
0xca: {  	[sflag:s10] =	ssyncadd.s32 $0xFFFFF000  }
0xcb: {  	_ =	swait.ge [sflag:s10], $0x1000  }
0xcc: {  	[sflag:s10] =	ssyncset.done $0x0  }
0xcd: {  	[sflag:s10] =	ssyncadd.s32 $0xFFFFF000  }
0xce: {  	_ =	swait.ge [sflag:s10], $0x1000  }
0xcf: {  	[sflag:s10] =	ssyncset.done $0x0  }
0xd0: {  	[sflag:s10] =	ssyncadd.s32 $0xFFFFF000  }
0xd1: {  	_ =	swait.ge [sflag:s10], $0x1000  }
0xd2: {  	[sflag:s10] =	ssyncset.done $0x0  }
0xd3: {  	[sflag:s10] =	ssyncadd.s32 $0xFFFFF000  }
0xd4: {  	_ =	swait.ge [sflag:s10], $0x1000  }
0xd5: {  	[sflag:s10] =	ssyncset.done $0x0  }
0xd6: {  	s0 =	rddreg [dreg:$0x8];
	[sflag:s10] =	ssyncadd.s32 $0xFFFFF000  }
0xd7: {  	[hbm4b:s0+s2] =	stream.linear.scatter [tilespmem:s7], [sflag:$0x2], $0x4000, $0x38;
	[tilespmem:$0x10400] =	vst v63  }
0xd8: {  	_ =	swait.ge [sflag:s3], $0x4000  }
0xd9: {  	[sflag:s3] =	ssyncset.done $0x0  }
0xda: {  	s0 =	rddreg [dreg:$0x9];
	[sflag:s3] =	ssyncadd.s32 $0xFFFFC000  }
0xdb: {  	[hbm4b:s0+s2] =	stream.linear.scatter [tilespmem:s6], [sflag:$0x2], $0x4000, $0x38;
	[tilespmem:$0x10400] =	vst v63  }
0xdc: {  	_ =	swait.ge [sflag:s3], $0x4000  }
0xdd: {  	[sflag:s3] =	ssyncset.done $0x0  }
0xde: {  	s0 =	rddreg [dreg:$0xa];
	[sflag:s3] =	ssyncadd.s32 $0xFFFFC000  }
0xdf: {  	[hbm4b:s0+s2] =	stream.linear.scatter [tilespmem:s5], [sflag:$0x2], $0x4000, $0x38;
	[tilespmem:$0x10400] =	vst v63  }
0xe0: {  	p1 =	sne.s32 s1, $0x1;
	_ =	swait.ge [sflag:s3], $0x4000  }
.Ltmp2:
0xe1: {  	[sflag:s3] =	ssyncset.done $0x0;
	(pc) =	sbr.rel @p1 .LBB2_2-.Ltmp2, $4  }
0xe2: {  	s0 =	rddreg [dreg:$0xb];
	[sflag:s3] =	ssyncadd.s32 $0xFFFFC000  }
0xe3: {  	[hbm4b:s0+s2] =	stream.linear.scatter [tilespmem:s4], [sflag:$0x2], $0x4000, $0x38;
	[tilespmem:$0x10400] =	vst v63  }
0xe4: {  	_ =	swait.ge [sflag:s3], $0x4000  }
0xe5: {  	s1 =	sadd.s32 $0xFFFFFFFF, s1;
	s0 =	rddreg [dreg:$0x6];
	[sflag:s3] =	ssyncset.done $0x0  }
.LBB2_3:
0xe6: {  	[sflag:s3] =	ssyncadd.s32 @p0 $0xFFFFC000  }
0xe7: {  	[tilespmem:s2], [sflag:$0x2] =	stream.linear.gather [hbm4b:s0+s2], $0x200, $0x38;
	[tilespmem:$0x10400] =	vst v63  }
0xe8: {  	_ =	swait.ge [sflag:s3], $0x200  }
0xe9: {  	[sflag:s3] =	ssyncset.done $0x0  }
0xea: {  	s1 =	rddreg [dreg:$0x7];
	[sflag:s3] =	ssyncadd.s32 $0xFFFFFE00  }
0xeb: {  	[tilespmem:s14], [sflag:$0x2] =	stream.linear.gather [hbm4b:s1+s2], $0x200, $0x38;
	[tilespmem:$0x10400] =	vst v63  }
0xec: {  	_ =	swait.ge [sflag:s3], $0x200  }
0xed: {  	[sflag:s3] =	ssyncset.done $0x0  }
0xee: {  	[sflag:s3] =	ssyncadd.s32 $0xFFFFFE00  }
0xef: {  	[tilespmem:s7], [sflag:$0x1] =	stream.indirect.gather [hbm4b:s8+s13], $0x20, s2, s13, $0xb8;
	[tilespmem:$0x10400] =	vst v63  }
0xf0: {  	_ = 	snop  }
0xf1: {  	[tilespmem:s6], [sflag:$0x1] =	stream.indirect.gather [hbm4b:s9+s13], $0x20, s2, s13, $0xb8;
	[tilespmem:$0x10400] =	vst v63  }
0xf2: {  	_ = 	snop  }
0xf3: {  	[tilespmem:s5], [sflag:$0x1] =	stream.indirect.gather [hbm4b:s11+s13], $0x20, s14, s13, $0xb8;
	[tilespmem:$0x10400] =	vst v63  }
0xf4: {  	_ = 	snop  }
0xf5: {  	[tilespmem:s4], [sflag:$0x1] =	stream.indirect.gather [hbm4b:s12+s13], $0x20, s14, s13, $0xb8;
	[tilespmem:$0x10400] =	vst v63  }
0xf6: {  	s1 =	rddreg [dreg:$0xc]  }
0xf7: {  	[tilespmem:s1], [sflag:$0x1] =	stream.indirect.gather [hbm4b:s8+s13], $0x20, s13, s13, $0xb8;
	[tilespmem:$0x10400] =	vst v63  }
0xf8: {  	_ = 	snop  }
0xf9: {  	[tilespmem:s16], [sflag:$0x1] =	stream.indirect.gather [hbm4b:s9+s13], $0x20, s13, s13, $0xb8;
	[tilespmem:$0x10400] =	vst v63  }
0xfa: {  	_ = 	snop  }
0xfb: {  	[tilespmem:s18], [sflag:$0x1] =	stream.indirect.gather [hbm4b:s11+s13], $0x20, s15, s13, $0xb8;
	[tilespmem:$0x10400] =	vst v63  }
0xfc: {  	_ = 	snop  }
0xfd: {  	[tilespmem:s19], [sflag:$0x1] =	stream.indirect.gather [hbm4b:s12+s13], $0x20, s15, s13, $0xb8;
	[tilespmem:$0x10400] =	vst v63  }
0xfe: {  	_ = 	snop  }
0xff: {  	[tilespmem:s21], [sflag:$0x1] =	stream.indirect.gather [hbm4b:s8+s13], $0x20, s17, s13, $0xb8;
	[tilespmem:$0x10400] =	vst v63  }
0x100: {  	_ = 	snop  }
0x101: {  	[tilespmem:s22], [sflag:$0x1] =	stream.indirect.gather [hbm4b:s9+s13], $0x20, s17, s13, $0xb8;
	[tilespmem:$0x10400] =	vst v63  }
0x102: {  	_ = 	snop  }
0x103: {  	[tilespmem:s24], [sflag:$0x1] =	stream.indirect.gather [hbm4b:s11+s13], $0x20, s20, s13, $0xb8;
	[tilespmem:$0x10400] =	vst v63  }
0x104: {  	_ = 	snop  }
0x105: {  	[tilespmem:s25], [sflag:$0x1] =	stream.indirect.gather [hbm4b:s12+s13], $0x20, s20, s13, $0xb8;
	[tilespmem:$0x10400] =	vst v63  }
0x106: {  	_ = 	snop  }
0x107: {  	[tilespmem:s28], [sflag:$0x1] =	stream.indirect.gather [hbm4b:s8+s13], $0x20, s23, s13, $0xb8;
	[tilespmem:$0x10400] =	vst v63  }
0x108: {  	_ = 	snop  }
0x109: {  	[tilespmem:s29], [sflag:$0x1] =	stream.indirect.gather [hbm4b:s9+s13], $0x20, s23, s13, $0xb8;
	[tilespmem:$0x10400] =	vst v63  }
0x10a: {  	_ = 	snop  }
0x10b: {  	[tilespmem:s30], [sflag:$0x1] =	stream.indirect.gather [hbm4b:s11+s13], $0x20, s26, s13, $0xb8;
	[tilespmem:$0x10400] =	vst v63  }
0x10c: {  	_ = 	snop  }
0x10d: {  	[tilespmem:s31], [sflag:$0x1] =	stream.indirect.gather [hbm4b:s12+s13], $0x20, s26, s13, $0xb8;
	[tilespmem:$0x10400] =	vst v63  }
0x10e: {  	_ =	swait.ge [sflag:s10], $0x1000  }
0x10f: {  	[sflag:s10] =	ssyncset.done $0x0  }
0x110: {  	[sflag:s10] =	ssyncadd.s32 $0xFFFFF000  }
0x111: {  	_ =	swait.ge [sflag:s10], $0x1000  }
0x112: {  	[sflag:s10] =	ssyncset.done $0x0  }
0x113: {  	[sflag:s10] =	ssyncadd.s32 $0xFFFFF000  }
0x114: {  	_ =	swait.ge [sflag:s10], $0x1000  }
0x115: {  	[sflag:s10] =	ssyncset.done $0x0  }
0x116: {  	[sflag:s10] =	ssyncadd.s32 $0xFFFFF000  }
0x117: {  	_ =	swait.ge [sflag:s10], $0x1000  }
0x118: {  	[sflag:s10] =	ssyncset.done $0x0  }
0x119: {  	[sflag:s10] =	ssyncadd.s32 $0xFFFFF000  }
0x11a: {  	_ =	swait.ge [sflag:s10], $0x1000  }
0x11b: {  	[sflag:s10] =	ssyncset.done $0x0  }
0x11c: {  	[sflag:s10] =	ssyncadd.s32 $0xFFFFF000  }
0x11d: {  	_ =	swait.ge [sflag:s10], $0x1000  }
0x11e: {  	[sflag:s10] =	ssyncset.done $0x0  }
0x11f: {  	[sflag:s10] =	ssyncadd.s32 $0xFFFFF000  }
0x120: {  	_ =	swait.ge [sflag:s10], $0x1000  }
0x121: {  	[sflag:s10] =	ssyncset.done $0x0  }
0x122: {  	[sflag:s10] =	ssyncadd.s32 $0xFFFFF000  }
0x123: {  	_ =	swait.ge [sflag:s10], $0x1000  }
0x124: {  	[sflag:s10] =	ssyncset.done $0x0  }
0x125: {  	[sflag:s10] =	ssyncadd.s32 $0xFFFFF000  }
0x126: {  	_ =	swait.ge [sflag:s10], $0x1000  }
0x127: {  	[sflag:s10] =	ssyncset.done $0x0  }
0x128: {  	[sflag:s10] =	ssyncadd.s32 $0xFFFFF000  }
0x129: {  	_ =	swait.ge [sflag:s10], $0x1000  }
0x12a: {  	[sflag:s10] =	ssyncset.done $0x0  }
0x12b: {  	[sflag:s10] =	ssyncadd.s32 $0xFFFFF000  }
0x12c: {  	_ =	swait.ge [sflag:s10], $0x1000  }
0x12d: {  	[sflag:s10] =	ssyncset.done $0x0  }
0x12e: {  	[sflag:s10] =	ssyncadd.s32 $0xFFFFF000  }
0x12f: {  	_ =	swait.ge [sflag:s10], $0x1000  }
0x130: {  	[sflag:s10] =	ssyncset.done $0x0  }
0x131: {  	[sflag:s10] =	ssyncadd.s32 $0xFFFFF000  }
0x132: {  	_ =	swait.ge [sflag:s10], $0x1000  }
0x133: {  	[sflag:s10] =	ssyncset.done $0x0  }
0x134: {  	[sflag:s10] =	ssyncadd.s32 $0xFFFFF000  }
0x135: {  	_ =	swait.ge [sflag:s10], $0x1000  }
0x136: {  	[sflag:s10] =	ssyncset.done $0x0  }
0x137: {  	[sflag:s10] =	ssyncadd.s32 $0xFFFFF000  }
0x138: {  	_ =	swait.ge [sflag:s10], $0x1000  }
0x139: {  	[sflag:s10] =	ssyncset.done $0x0  }
0x13a: {  	[sflag:s10] =	ssyncadd.s32 $0xFFFFF000  }
0x13b: {  	_ =	swait.ge [sflag:s10], $0x1000  }
0x13c: {  	[sflag:s10] =	ssyncset.done $0x0  }
0x13d: {  	s26 =	rddreg [dreg:$0x8];
	[sflag:s10] =	ssyncadd.s32 $0xFFFFF000  }
0x13e: {  	[hbm4b:s26+s2] =	stream.linear.scatter [tilespmem:s7], [sflag:$0x2], $0x4000, $0x38;
	[tilespmem:$0x10400] =	vst v63  }
0x13f: {  	_ =	swait.ge [sflag:s3], $0x4000  }
0x140: {  	[sflag:s3] =	ssyncset.done $0x0  }
0x141: {  	s28 =	rddreg [dreg:$0x9];
	[sflag:s3] =	ssyncadd.s32 $0xFFFFC000  }
0x142: {  	[hbm4b:s28+s2] =	stream.linear.scatter [tilespmem:s6], [sflag:$0x2], $0x4000, $0x38;
	[tilespmem:$0x10400] =	vst v63  }
0x143: {  	_ =	swait.ge [sflag:s3], $0x4000  }
0x144: {  	[sflag:s3] =	ssyncset.done $0x0  }
0x145: {  	s29 =	rddreg [dreg:$0xa];
	[sflag:s3] =	ssyncadd.s32 $0xFFFFC000  }
0x146: {  	[hbm4b:s29+s2] =	stream.linear.scatter [tilespmem:s5], [sflag:$0x2], $0x4000, $0x38;
	[tilespmem:$0x10400] =	vst v63  }
0x147: {  	_ =	swait.ge [sflag:s3], $0x4000  }
0x148: {  	[sflag:s3] =	ssyncset.done $0x0  }
0x149: {  	s30 =	rddreg [dreg:$0xb];
	[sflag:s3] =	ssyncadd.s32 $0xFFFFC000  }
0x14a: {  	[hbm4b:s30+s2] =	stream.linear.scatter [tilespmem:s4], [sflag:$0x2], $0x4000, $0x38;
	[tilespmem:$0x10400] =	vst v63  }
0x14b: {  	_ =	swait.ge [sflag:s3], $0x4000  }
0x14c: {  	[sflag:s3] =	ssyncset.done $0x0  }
0x14d: {  	[sflag:s3] =	ssyncadd.s32 $0xFFFFC000  }
0x14e: {  	_ =	sfence.sel $0x180000  }
0x14f: {  	[bflag:$0x0] =	sbarrier.arrive $0xFFFF  }
0x150: {  	_ =	strace $0x90000047  }
0x151: {  	s31 =	stileid.u32;
	[bflag:$0x2] =	sbarrier.arrive $0xFFFF  }
0x152: {  	p0 =	sne.s32 s31, $0x0;
	s0 =	rddreg [dreg:$0x5]  }
0x153: {  	s0 =	sadd.s32 @!p0 $0x100000, s0  }
0x154: {  	[sflag:s0] =	ssyncadd.tile.s32 @!p0 $0x1;
	_ =	shalt  }
.Lfunc_end2:
_tile_overlayer_lowered:
.L_overlay_start_2:
0x155: {  	(tag) =	ssettag $0x2  }
0x156: {  	s0 =	rddreg [dreg:$0x0];
	s2 =	stileid.u32  }
0x157: {  	s1 =	rddreg [dreg:$0x1];
	p0 =	sne.s32 s2, $0x0  }
0x158: {  	s3 =	rddreg [dreg:$0x2];
	[bflag:$0x3] =	sbarrier.arrive $0xFFFF;
	s2 =	simm.s32 @!p0 $0x1C02  }
0x159: {  	[timem:s3], [sflag:s2] =	dma.local @!p0 [hbm:s0], s1  }
0x15a: {  	s0 =	simm.s32 @!p0 $0x2  }
0x15b: {  	_ =	swait.ge @!p0 [sflag:s0], s1  }
0x15c: {  	s1 =	ssub.s32 @!p0 $0x0, s1;
	[sflag:s0] =	ssyncset.done @!p0 $0x0  }
0x15d: {  	[sflag:s0] =	ssyncadd.s32 @!p0 s1  }
0x15e: {  	[bflag:$0x3] =	sbarrier.arrive $0xFFFF  }
0x15f: {  	_ =	shalt  }

</sc_bundles>
